<compile_context>
chip_gen: v7x
topology: tpu7x:2x2x1
jax: 0.10.2.dev20260603
libtpu: 0.0.44.dev20260713+nightly
codegen_flags: <defaults>
</compile_context>

<pallas_src>
import functools

import jax
import jax.numpy as jnp
from jax import lax
from jax.experimental import pallas as pl
from jax.experimental.pallas import tpu as pltpu
from jax.experimental.pallas import tpu_sc as plsc

N = 10000
E = 320000
D = 128
N_BLK = 2

NC, NS = 2, 16
NW = NC * NS
EW = E // NW
K = 80
CHUNKS = EW // K
NPAD = 10240
ROWS_PER_SUB = NPAD // NS

_mesh = plsc.VectorSubcoreMesh(core_axis_name="c", subcore_axis_name="s")



@functools.partial(
    pl.kernel,
    mesh=_mesh,
    out_type=jax.ShapeDtypeStruct((E, D), jnp.float32),
    scratch_types=[
        pltpu.VMEM((K,), jnp.int32),
        pltpu.VMEM((K,), jnp.int32),
        pltpu.VMEM((K, D), jnp.float32),
        pltpu.VMEM((K, D), jnp.float32),
        pltpu.SemaphoreType.DMA,
        pltpu.SemaphoreType.DMA,
    ],
)
def _sc_gather_add(p_hbm, q_hbm, src_hbm, dst_hbm, t_hbm,
                   idx_s, idx_d, rows_p, rows_q, sem_p, sem_q):
    wid = lax.axis_index("s") * NC + lax.axis_index("c")
    base = wid * EW

    @pl.loop(0, CHUNKS)
    def _chunk(j):
        off = base + j * K
        pltpu.sync_copy(src_hbm.at[pl.ds(off, K)], idx_s)
        pltpu.sync_copy(dst_hbm.at[pl.ds(off, K)], idx_d)
        cp_p = pltpu.async_copy(p_hbm.at[idx_s], rows_p, sem_p)
        cp_q = pltpu.async_copy(q_hbm.at[idx_d], rows_q, sem_q)
        cp_p.wait()
        cp_q.wait()

        @pl.loop(0, K)
        def _row(r):
            @pl.loop(0, D, step=16)
            def _col(c):
                slc = (pl.ds(r, 1), pl.ds(c, 16))
                rows_p.at[*slc][...] = rows_p.at[*slc][...] + rows_q.at[*slc][...]

        pltpu.sync_copy(rows_p, t_hbm.at[pl.ds(off, K)])


@functools.partial(
    pl.kernel,
    mesh=_mesh,
    out_type=jax.ShapeDtypeStruct((NC * NPAD, D), jnp.float32),
    scratch_types=[
        pltpu.VMEM((K,), jnp.int32),
        pltpu.VMEM((K, D), jnp.float32),
        pltpu.VMEM((K, D), jnp.float32),
        pltpu.VMEM_SHARED((NPAD, D), jnp.float32),
    ],
)
def _sc_scatter_add(e_hbm, dst_hbm, z_hbm, out_hbm, idx_v, rows_v, zb, acc):
    cid = lax.axis_index("c")
    sid = lax.axis_index("s")

    pltpu.sync_copy(z_hbm, zb)

    @pl.loop(0, ROWS_PER_SUB // K)
    def _z(t):
        pltpu.sync_copy(zb, acc.at[pl.ds(sid * ROWS_PER_SUB + t * K, K)])

    plsc.subcore_barrier()

    base = cid * (E // NC) + sid * EW

    @pl.loop(0, CHUNKS)
    def _chunk(j):
        off = base + j * K
        pltpu.sync_copy(dst_hbm.at[pl.ds(off, K)], idx_v)
        pltpu.sync_copy(e_hbm.at[pl.ds(off, K)], rows_v)
        pltpu.sync_copy(rows_v, acc.at[idx_v], add=True)

    plsc.subcore_barrier()
    pltpu.sync_copy(
        acc.at[pl.ds(sid * ROWS_PER_SUB, ROWS_PER_SUB)],
        out_hbm.at[pl.ds(cid * NPAD + sid * ROWS_PER_SUB, ROWS_PER_SUB)])



TE = 2560
TN = 2000


def _ln_res(h, x, g, bt):
    mu = jnp.mean(h, axis=-1, keepdims=True)
    d = h - mu
    var = jnp.mean(d * d, axis=-1, keepdims=True)
    return d * lax.rsqrt(var + 1e-5) * g + bt + x


def _proj_body(nf_ref, ws, wd, p_ref, q_ref):
    x = nf_ref[...]
    p_ref[...] = jnp.dot(x, ws[...], preferred_element_type=jnp.float32)
    q_ref[...] = jnp.dot(x, wd[...], preferred_element_type=jnp.float32)


def _proj(nf, ws, wd):
    row = pl.BlockSpec((TN, D), lambda i: (i, 0))
    full = pl.BlockSpec((D, D), lambda i: (0, 0))
    return pl.pallas_call(
        _proj_body,
        grid=(N // TN,),
        in_specs=[row, full, full],
        out_specs=[row, row],
        out_shape=[jax.ShapeDtypeStruct((N, D), jnp.float32),
                   jax.ShapeDtypeStruct((N, D), jnp.float32)],
    )(nf, ws, wd)


def _edge_body(ef_ref, t_ref, w1, w2, w3, b1, b2, b3, g, bt, out_ref):
    x = ef_ref[...]
    h = jnp.dot(x, w1[...], preferred_element_type=jnp.float32)
    h = jnp.maximum(h + t_ref[...] + b1[...], 0.0)
    h = jnp.maximum(jnp.dot(h, w2[...], preferred_element_type=jnp.float32) + b2[...], 0.0)
    h = jnp.dot(h, w3[...], preferred_element_type=jnp.float32) + b3[...]
    out_ref[...] = _ln_res(h, x, g[...], bt[...])


def _edge_mlp(ef, t, w1, w2, w3, b1, b2, b3, g, bt):
    row = pl.BlockSpec((TE, D), lambda i: (i, 0))
    full = pl.BlockSpec((D, D), lambda i: (0, 0))
    vec = pl.BlockSpec((1, D), lambda i: (0, 0))
    return pl.pallas_call(
        _edge_body,
        grid=(E // TE,),
        in_specs=[row, row, full, full, full, vec, vec, vec, vec, vec],
        out_specs=row,
        out_shape=jax.ShapeDtypeStruct((E, D), jnp.float32),
    )(ef, t, w1, w2, w3, b1, b2, b3, g, bt)


def _node_body(p0_ref, p1_ref, nf_ref, w1a, w1b, w2, w3, b1, b2, b3, g, bt,
               out_ref):
    x = nf_ref[...]
    agg = p0_ref[...] + p1_ref[...]
    h = (jnp.dot(agg, w1a[...], preferred_element_type=jnp.float32)
         + jnp.dot(x, w1b[...], preferred_element_type=jnp.float32))
    h = jnp.maximum(h + b1[...], 0.0)
    h = jnp.maximum(jnp.dot(h, w2[...], preferred_element_type=jnp.float32) + b2[...], 0.0)
    h = jnp.dot(h, w3[...], preferred_element_type=jnp.float32) + b3[...]
    out_ref[...] = _ln_res(h, x, g[...], bt[...])


def _node_mlp(p0, p1, nf, w1a, w1b, w2, w3, b1, b2, b3, g, bt):
    row = pl.BlockSpec((TN, D), lambda i: (i, 0))
    full = pl.BlockSpec((D, D), lambda i: (0, 0))
    vec = pl.BlockSpec((1, D), lambda i: (0, 0))
    return pl.pallas_call(
        _node_body,
        grid=(N // TN,),
        in_specs=[row, row, row, full, full, full, full,
                  vec, vec, vec, vec, vec],
        out_specs=row,
        out_shape=jax.ShapeDtypeStruct((N, D), jnp.float32),
    )(p0, p1, nf, w1a, w1b, w2, w3, b1, b2, b3, g, bt)



def kernel(nfeat, efeat, edge_index, eW1, eb1, eW2, eb2, eW3, eb3, eg, ebt,
           nW1, nb1, nW2, nb2, nW3, nb3, ng, nbt):
    src = edge_index[0].astype(jnp.int32)
    dst = edge_index[1].astype(jnp.int32)
    zeros = jnp.zeros((K, D), jnp.float32)

    for i in range(N_BLK):
        w1e = eW1[i, :D]
        w1s = eW1[i, D:2 * D]
        w1d = eW1[i, 2 * D:]
        p, q = _proj(nfeat, w1s, w1d)
        t = _sc_gather_add(p, q, src, dst)
        efeat = _edge_mlp(efeat, t, w1e, eW2[i], eW3[i],
                          eb1[i][None], eb2[i][None], eb3[i][None],
                          eg[i][None], ebt[i][None])
        parts = _sc_scatter_add(efeat, dst, zeros)
        nfeat = _node_mlp(parts[:N], parts[NPAD:NPAD + N], nfeat,
                          nW1[i, :D], nW1[i, D:], nW2[i], nW3[i],
                          nb1[i][None], nb2[i][None], nb3[i][None],
                          ng[i][None], nbt[i][None])
    return nfeat

# --- scband reference (transcript-rebuilt; emitter-appended) ---
"""Pipeline reference for scband-pibnet-89163521065279 (READ-ONLY COPY).

The authoritative reference and input builder live on the scoring server;
editing this copy changes nothing except your own understanding.
"""

import jax, jax.numpy as jnp
import numpy as np

N_NODES = 10000
N_EDGES = 320000
D = 128
N_BLOCKS = 2  # first_top_processor_size


def _mlp(x, W1, b1, W2, b2, W3, b3, g, beta):
    # MeshGraphMLP with hidden_layers=2, ReLU activation, final LayerNorm
    h = jax.nn.relu(x @ W1 + b1)
    h = jax.nn.relu(h @ W2 + b2)
    h = h @ W3 + b3
    mu = jnp.mean(h, axis=-1, keepdims=True)
    var = jnp.var(h, axis=-1, keepdims=True)
    return (h - mu) / jnp.sqrt(var + 1e-5) * g + beta


def setup_inputs(seed: int = 0) -> dict:
    key = jax.random.key(seed)
    ks = jax.random.split(key, 20)
    nfeat = jax.random.normal(ks[0], (N_NODES, D), dtype=jnp.float32)
    efeat = jax.random.normal(ks[1], (N_EDGES, D), dtype=jnp.float32)
    edge_index = jax.random.randint(ks[2], (2, N_EDGES), 0, N_NODES, dtype=jnp.int64)

    def w(k, shape, fan_in):
        return jax.random.normal(k, shape, dtype=jnp.float32) / np.sqrt(fan_in)

    # Edge MLP params: input is concat(efeat, src_nfeat, dst_nfeat) -> 3*D
    eW1 = w(ks[3], (N_BLOCKS, 3 * D, D), 3 * D)
    eb1 = jnp.zeros((N_BLOCKS, D), dtype=jnp.float32)
    eW2 = w(ks[4], (N_BLOCKS, D, D), D)
    eb2 = jnp.zeros((N_BLOCKS, D), dtype=jnp.float32)
    eW3 = w(ks[5], (N_BLOCKS, D, D), D)
    eb3 = jnp.zeros((N_BLOCKS, D), dtype=jnp.float32)
    eg = jnp.ones((N_BLOCKS, D), dtype=jnp.float32)
    ebt = jnp.zeros((N_BLOCKS, D), dtype=jnp.float32)

    # Node MLP params: input is concat(agg_efeat, nfeat) -> 2*D
    nW1 = w(ks[6], (N_BLOCKS, 2 * D, D), 2 * D)
    nb1 = jnp.zeros((N_BLOCKS, D), dtype=jnp.float32)
    nW2 = w(ks[7], (N_BLOCKS, D, D), D)
    nb2 = jnp.zeros((N_BLOCKS, D), dtype=jnp.float32)
    nW3 = w(ks[8], (N_BLOCKS, D, D), D)
    nb3 = jnp.zeros((N_BLOCKS, D), dtype=jnp.float32)
    ng = jnp.ones((N_BLOCKS, D), dtype=jnp.float32)
    nbt = jnp.zeros((N_BLOCKS, D), dtype=jnp.float32)

    return {
        "nfeat": nfeat, "efeat": efeat, "edge_index": edge_index,
        "eW1": eW1, "eb1": eb1, "eW2": eW2, "eb2": eb2, "eW3": eW3, "eb3": eb3, "eg": eg, "ebt": ebt,
        "nW1": nW1, "nb1": nb1, "nW2": nW2, "nb2": nb2, "nW3": nW3, "nb3": nb3, "ng": ng, "nbt": nbt,
    }


def reference(nfeat, efeat, edge_index,
              eW1, eb1, eW2, eb2, eW3, eb3, eg, ebt,
              nW1, nb1, nW2, nb2, nW3, nb3, ng, nbt):
    src = edge_index[0]
    dst = edge_index[1]
    for i in range(N_BLOCKS):
        # EdgeBlock: MeshGraphEdgeMLPConcat over (efeat, src nfeat, dst nfeat), residual
        cat_e = jnp.concatenate([efeat, jnp.take(nfeat, src, axis=0), jnp.take(nfeat, dst, axis=0)], axis=-1)
        efeat_new = _mlp(cat_e, eW1[i], eb1[i], eW2[i], eb2[i], eW3[i], eb3[i], eg[i], ebt[i])
        efeat = efeat_new + efeat
        # NodeBlock: sum-aggregate edge features to dst, concat with nfeat, MLP, residual
        agg = jax.ops.segment_sum(efeat, dst, num_segments=N_NODES)
        cat_n = jnp.concatenate([agg, nfeat], axis=-1)
        nfeat = _mlp(cat_n, nW1[i], nb1[i], nW2[i], nb2[i], nW3[i], nb3[i], ng[i], nbt[i]) + nfeat
    return nfeat

if __name__ == "__main__":
    import jax
    _d = setup_inputs()
    print(jax.jit(kernel)(*tuple(_d.values())))

</pallas_src>

<mosaic_0001>
#map = affine_map<(d0, d1) -> (0, 0)>
#map1 = affine_map<(d0, d1) -> (0)>
module attributes {stable_mosaic.version = 14 : i64} {
  func.func @_sc_scatter_add(%arg0: i32, %arg1: i32, %arg2: memref<320000x128xf32, #tpu.memory_space<hbm>>, %arg3: memref<320000xi32, #tpu.memory_space<hbm>>, %arg4: memref<80x128xf32, #tpu.memory_space<hbm>>, %arg5: memref<20480x128xf32, #tpu.memory_space<hbm>>, %arg6: memref<80xi32, #tpu.memory_space<vmem>>, %arg7: memref<80x128xf32, #tpu.memory_space<vmem>>, %arg8: memref<80x128xf32, #tpu.memory_space<vmem>>, %arg9: memref<10240x128xf32, #tpu.memory_space<vmem_shared>>) attributes {dimension_semantics = [#tpu.dimension_semantics<core_parallel>, #tpu.dimension_semantics<subcore_parallel>], iteration_bounds = array<i64: 2, 16>, scalar_prefetch = 0 : i64, scratch_operands = 4 : i64, tpu.core_type = #tpu.core_type<sc_vector_subcore>, window_params = [{transform_indices = #map}, {transform_indices = #map1}, {transform_indices = #map}, {transform_indices = #map}]} {
    "tpu.region"() ({
      %run_scoped3A = tpu.sem_alloc : memref<!tpu.dma_semaphore, #tpu.memory_space<semaphore_mem>>
      tpu.enqueue_dma source(%arg4 : memref<80x128xf32, #tpu.memory_space<hbm>>) target(%arg8 : memref<80x128xf32, #tpu.memory_space<vmem>>) target_semaphore(%run_scoped3A : memref<!tpu.dma_semaphore, #tpu.memory_space<semaphore_mem>>)
      tpu.wait_dma2 semaphore(%run_scoped3A : memref<!tpu.dma_semaphore, #tpu.memory_space<semaphore_mem>>) src(%arg4 : memref<80x128xf32, #tpu.memory_space<hbm>>) dst(%arg8 : memref<80x128xf32, #tpu.memory_space<vmem>>)
      tpu.yield
    }) : () -> ()
    %scan3A = arith.constant 0 : i32
    %scan3A_0 = arith.constant 8 : i32
    %scan3A_1 = arith.addi %scan3A, %scan3A_0 : i32
    %scan3A_2 = arith.constant 1 : i32
    scf.for %scan3A_20 = %scan3A to %scan3A_1 step %scan3A_2  : i32 {
      %mul3A_21 = arith.constant 1 : i32
      %mul3A_22 = arith.muli %scan3A_20, %mul3A_21 : i32
      %add3A_23 = arith.constant 0 : i32
      %add3A_24 = arith.addi %add3A_23, %mul3A_22 : i32
      %mul3A_25 = arith.constant 640 : i32
      %mul3A_26 = arith.muli %arg1, %mul3A_25 : i32
      %mul3A_27 = arith.constant 80 : i32
      %mul3A_28 = arith.muli %add3A_24, %mul3A_27 : i32
      %add3A_29 = arith.addi %mul3A_26, %mul3A_28 : i32
      "tpu.region"() ({
        %run_scoped3A = tpu.sem_alloc : memref<!tpu.dma_semaphore, #tpu.memory_space<semaphore_mem>>
        %dma_start3A = arith.constant 0 : i32
        %dma_start3A_30 = tpu.memref_slice %arg9[%add3A_29, %dma_start3A] : memref<10240x128xf32, #tpu.memory_space<vmem_shared>> -> memref<80x128xf32, #tpu.memory_space<vmem_shared>>
        %dma_start3A_31 = arith.constant 0 : i32
        %dma_start3A_32 = tpu.memref_slice %arg9[%add3A_29, %dma_start3A_31] : memref<10240x128xf32, #tpu.memory_space<vmem_shared>> -> memref<80x128xf32, #tpu.memory_space<vmem_shared>>
        tpu.enqueue_dma source(%arg8 : memref<80x128xf32, #tpu.memory_space<vmem>>) target(%dma_start3A_32 : memref<80x128xf32, #tpu.memory_space<vmem_shared>>) target_semaphore(%run_scoped3A : memref<!tpu.dma_semaphore, #tpu.memory_space<semaphore_mem>>)
        %dma_wait3A = arith.constant 0 : i32
        %dma_wait3A_33 = tpu.memref_slice %arg9[%add3A_29, %dma_wait3A] : memref<10240x128xf32, #tpu.memory_space<vmem_shared>> -> memref<80x128xf32, #tpu.memory_space<vmem_shared>>
        %dma_wait3A_34 = arith.constant 0 : i32
        %dma_wait3A_35 = tpu.memref_slice %arg9[%add3A_29, %dma_wait3A_34] : memref<10240x128xf32, #tpu.memory_space<vmem_shared>> -> memref<80x128xf32, #tpu.memory_space<vmem_shared>>
        tpu.wait_dma2 semaphore(%run_scoped3A : memref<!tpu.dma_semaphore, #tpu.memory_space<semaphore_mem>>) src(%arg8 : memref<80x128xf32, #tpu.memory_space<vmem>>) dst(%dma_wait3A_35 : memref<80x128xf32, #tpu.memory_space<vmem_shared>>)
        tpu.yield
      }) : () -> ()
    }
    %scan3A_3 = arith.constant 8 : i32
    %barrier3A = arith.constant 0 : index
    tpu.barrier barrier_id(%barrier3A)
    %mul3A = arith.constant 160000 : i32
    %mul3A_4 = arith.muli %arg0, %mul3A : i32
    %mul3A_5 = arith.constant 10000 : i32
    %mul3A_6 = arith.muli %arg1, %mul3A_5 : i32
    %add3A = arith.addi %mul3A_4, %mul3A_6 : i32
    %scan3A_7 = arith.constant 0 : i32
    %scan3A_8 = arith.constant 125 : i32
    %scan3A_9 = arith.addi %scan3A_7, %scan3A_8 : i32
    %scan3A_10 = arith.constant 1 : i32
    scf.for %scan3A_20 = %scan3A_7 to %scan3A_9 step %scan3A_10  : i32 {
      %mul3A_21 = arith.constant 1 : i32
      %mul3A_22 = arith.muli %scan3A_20, %mul3A_21 : i32
      %add3A_23 = arith.constant 0 : i32
      %add3A_24 = arith.addi %add3A_23, %mul3A_22 : i32
      %mul3A_25 = arith.constant 80 : i32
      %mul3A_26 = arith.muli %add3A_24, %mul3A_25 : i32
      %add3A_27 = arith.addi %add3A, %mul3A_26 : i32
      "tpu.region"() ({
        %run_scoped3A = tpu.sem_alloc : memref<!tpu.dma_semaphore, #tpu.memory_space<semaphore_mem>>
        %dma_start3A = tpu.memref_slice %arg3[%add3A_27] : memref<320000xi32, #tpu.memory_space<hbm>> -> memref<80xi32, #tpu.memory_space<hbm>>
        %dma_start3A_28 = tpu.memref_slice %arg3[%add3A_27] : memref<320000xi32, #tpu.memory_space<hbm>> -> memref<80xi32, #tpu.memory_space<hbm>>
        tpu.enqueue_dma source(%dma_start3A_28 : memref<80xi32, #tpu.memory_space<hbm>>) target(%arg6 : memref<80xi32, #tpu.memory_space<vmem>>) target_semaphore(%run_scoped3A : memref<!tpu.dma_semaphore, #tpu.memory_space<semaphore_mem>>)
        %dma_wait3A = tpu.memref_slice %arg3[%add3A_27] : memref<320000xi32, #tpu.memory_space<hbm>> -> memref<80xi32, #tpu.memory_space<hbm>>
        %dma_wait3A_29 = tpu.memref_slice %arg3[%add3A_27] : memref<320000xi32, #tpu.memory_space<hbm>> -> memref<80xi32, #tpu.memory_space<hbm>>
        tpu.wait_dma2 semaphore(%run_scoped3A : memref<!tpu.dma_semaphore, #tpu.memory_space<semaphore_mem>>) src(%dma_wait3A_29 : memref<80xi32, #tpu.memory_space<hbm>>) dst(%arg6 : memref<80xi32, #tpu.memory_space<vmem>>)
        tpu.yield
      }) : () -> ()
      "tpu.region"() ({
        %run_scoped3A = tpu.sem_alloc : memref<!tpu.dma_semaphore, #tpu.memory_space<semaphore_mem>>
        %dma_start3A = arith.constant 0 : i32
        %dma_start3A_28 = tpu.memref_slice %arg2[%add3A_27, %dma_start3A] : memref<320000x128xf32, #tpu.memory_space<hbm>> -> memref<80x128xf32, #tpu.memory_space<hbm>>
        %dma_start3A_29 = arith.constant 0 : i32
        %dma_start3A_30 = tpu.memref_slice %arg2[%add3A_27, %dma_start3A_29] : memref<320000x128xf32, #tpu.memory_space<hbm>> -> memref<80x128xf32, #tpu.memory_space<hbm>>
        tpu.enqueue_dma source(%dma_start3A_30 : memref<80x128xf32, #tpu.memory_space<hbm>>) target(%arg7 : memref<80x128xf32, #tpu.memory_space<vmem>>) target_semaphore(%run_scoped3A : memref<!tpu.dma_semaphore, #tpu.memory_space<semaphore_mem>>)
        %dma_wait3A = arith.constant 0 : i32
        %dma_wait3A_31 = tpu.memref_slice %arg2[%add3A_27, %dma_wait3A] : memref<320000x128xf32, #tpu.memory_space<hbm>> -> memref<80x128xf32, #tpu.memory_space<hbm>>
        %dma_wait3A_32 = arith.constant 0 : i32
        %dma_wait3A_33 = tpu.memref_slice %arg2[%add3A_27, %dma_wait3A_32] : memref<320000x128xf32, #tpu.memory_space<hbm>> -> memref<80x128xf32, #tpu.memory_space<hbm>>
        tpu.wait_dma2 semaphore(%run_scoped3A : memref<!tpu.dma_semaphore, #tpu.memory_space<semaphore_mem>>) src(%dma_wait3A_33 : memref<80x128xf32, #tpu.memory_space<hbm>>) dst(%arg7 : memref<80x128xf32, #tpu.memory_space<vmem>>)
        tpu.yield
      }) : () -> ()
      "tpu.region"() ({
        %run_scoped3A = tpu.sem_alloc : memref<!tpu.dma_semaphore, #tpu.memory_space<semaphore_mem>>
        %dma_start3A = arith.constant 0 : i32
        %dma_start3A_28 = arith.constant 0 : i32
        %dma_start3A_29 = tpu.memref_slice %arg9[%dma_start3A, %dma_start3A_28] : memref<10240x128xf32, #tpu.memory_space<vmem_shared>> -> memref<10240x128xf32, #tpu.memory_space<vmem_shared>>
        tpu.enqueue_indirect_dma source(%arg7 : memref<80x128xf32, #tpu.memory_space<vmem>>) target(%dma_start3A_29 : memref<10240x128xf32, #tpu.memory_space<vmem_shared>>) offsets(%arg6 : memref<80xi32, #tpu.memory_space<vmem>>) semaphore(%run_scoped3A : memref<!tpu.dma_semaphore, #tpu.memory_space<semaphore_mem>>) {add = true}
        %dma_wait3A = arith.constant 0 : i32
        %dma_wait3A_30 = arith.constant 0 : i32
        %dma_wait3A_31 = tpu.memref_slice %arg9[%dma_wait3A, %dma_wait3A_30] : memref<10240x128xf32, #tpu.memory_space<vmem_shared>> -> memref<10240x128xf32, #tpu.memory_space<vmem_shared>>
        tpu.wait_indirect_dma semaphore(%run_scoped3A : memref<!tpu.dma_semaphore, #tpu.memory_space<semaphore_mem>>) src(%arg7 : memref<80x128xf32, #tpu.memory_space<vmem>>) dst(%dma_wait3A_31 : memref<10240x128xf32, #tpu.memory_space<vmem_shared>>)
        tpu.yield
      }) : () -> ()
    }
    %scan3A_11 = arith.constant 125 : i32
    %barrier3A_12 = arith.constant 0 : index
    tpu.barrier barrier_id(%barrier3A_12)
    %mul3A_13 = arith.constant 640 : i32
    %mul3A_14 = arith.muli %arg1, %mul3A_13 : i32
    %mul3A_15 = arith.constant 10240 : i32
    %mul3A_16 = arith.muli %arg0, %mul3A_15 : i32
    %mul3A_17 = arith.constant 640 : i32
    %mul3A_18 = arith.muli %arg1, %mul3A_17 : i32
    %add3A_19 = arith.addi %mul3A_16, %mul3A_18 : i32
    "tpu.region"() ({
      %run_scoped3A = tpu.sem_alloc : memref<!tpu.dma_semaphore, #tpu.memory_space<semaphore_mem>>
      %dma_start3A = arith.constant 0 : i32
      %dma_start3A_20 = tpu.memref_slice %arg5[%add3A_19, %dma_start3A] : memref<20480x128xf32, #tpu.memory_space<hbm>> -> memref<640x128xf32, #tpu.memory_space<hbm>>
      %dma_start3A_21 = arith.constant 0 : i32
      %dma_start3A_22 = tpu.memref_slice %arg9[%mul3A_14, %dma_start3A_21] : memref<10240x128xf32, #tpu.memory_space<vmem_shared>> -> memref<640x128xf32, #tpu.memory_space<vmem_shared>>
      tpu.enqueue_dma source(%dma_start3A_22 : memref<640x128xf32, #tpu.memory_space<vmem_shared>>) target(%dma_start3A_20 : memref<640x128xf32, #tpu.memory_space<hbm>>) target_semaphore(%run_scoped3A : memref<!tpu.dma_semaphore, #tpu.memory_space<semaphore_mem>>)
      %dma_wait3A = arith.constant 0 : i32
      %dma_wait3A_23 = tpu.memref_slice %arg5[%add3A_19, %dma_wait3A] : memref<20480x128xf32, #tpu.memory_space<hbm>> -> memref<640x128xf32, #tpu.memory_space<hbm>>
      %dma_wait3A_24 = arith.constant 0 : i32
      %dma_wait3A_25 = tpu.memref_slice %arg9[%mul3A_14, %dma_wait3A_24] : memref<10240x128xf32, #tpu.memory_space<vmem_shared>> -> memref<640x128xf32, #tpu.memory_space<vmem_shared>>
      tpu.wait_dma2 semaphore(%run_scoped3A : memref<!tpu.dma_semaphore, #tpu.memory_space<semaphore_mem>>) src(%dma_wait3A_25 : memref<640x128xf32, #tpu.memory_space<vmem_shared>>) dst(%dma_wait3A_23 : memref<640x128xf32, #tpu.memory_space<hbm>>)
      tpu.yield
    }) : () -> ()
    return
  }
}

#map = affine_map<(d0, d1) -> (0, 0)>
#map1 = affine_map<(d0, d1) -> (0)>
module attributes {stable_mosaic.version = 14 : i64} {
  func.func @_sc_gather_add(%arg0: i32, %arg1: i32, %arg2: memref<10000x128xf32, #tpu.memory_space<hbm>>, %arg3: memref<10000x128xf32, #tpu.memory_space<hbm>>, %arg4: memref<320000xi32, #tpu.memory_space<hbm>>, %arg5: memref<320000xi32, #tpu.memory_space<hbm>>, %arg6: memref<320000x128xf32, #tpu.memory_space<hbm>>, %arg7: memref<80xi32, #tpu.memory_space<vmem>>, %arg8: memref<80xi32, #tpu.memory_space<vmem>>, %arg9: memref<80x128xf32, #tpu.memory_space<vmem>>, %arg10: memref<80x128xf32, #tpu.memory_space<vmem>>, %arg11: memref<!tpu.dma_semaphore, #tpu.memory_space<semaphore_mem>>, %arg12: memref<!tpu.dma_semaphore, #tpu.memory_space<semaphore_mem>>) attributes {dimension_semantics = [#tpu.dimension_semantics<core_parallel>, #tpu.dimension_semantics<subcore_parallel>], iteration_bounds = array<i64: 2, 16>, scalar_prefetch = 0 : i64, scratch_operands = 6 : i64, tpu.core_type = #tpu.core_type<sc_vector_subcore>, window_params = [{transform_indices = #map}, {transform_indices = #map}, {transform_indices = #map1}, {transform_indices = #map1}, {transform_indices = #map}]} {
    %mul3A = arith.constant 2 : i32
    %mul3A_0 = arith.muli %arg1, %mul3A : i32
    %add3A = arith.addi %mul3A_0, %arg0 : i32
    %mul3A_1 = arith.constant 10000 : i32
    %mul3A_2 = arith.muli %add3A, %mul3A_1 : i32
    %scan3A = arith.constant 0 : i32
    %scan3A_3 = arith.constant 125 : i32
    %scan3A_4 = arith.addi %scan3A, %scan3A_3 : i32
    %scan3A_5 = arith.constant 1 : i32
    scf.for %scan3A_7 = %scan3A to %scan3A_4 step %scan3A_5  : i32 {
      %mul3A_8 = arith.constant 1 : i32
      %mul3A_9 = arith.muli %scan3A_7, %mul3A_8 : i32
      %add3A_10 = arith.constant 0 : i32
      %add3A_11 = arith.addi %add3A_10, %mul3A_9 : i32
      %mul3A_12 = arith.constant 80 : i32
      %mul3A_13 = arith.muli %add3A_11, %mul3A_12 : i32
      %add3A_14 = arith.addi %mul3A_2, %mul3A_13 : i32
      "tpu.region"() ({
        %run_scoped3A = tpu.sem_alloc : memref<!tpu.dma_semaphore, #tpu.memory_space<semaphore_mem>>
        %dma_start3A_30 = tpu.memref_slice %arg4[%add3A_14] : memref<320000xi32, #tpu.memory_space<hbm>> -> memref<80xi32, #tpu.memory_space<hbm>>
        %dma_start3A_31 = tpu.memref_slice %arg4[%add3A_14] : memref<320000xi32, #tpu.memory_space<hbm>> -> memref<80xi32, #tpu.memory_space<hbm>>
        tpu.enqueue_dma source(%dma_start3A_31 : memref<80xi32, #tpu.memory_space<hbm>>) target(%arg7 : memref<80xi32, #tpu.memory_space<vmem>>) target_semaphore(%run_scoped3A : memref<!tpu.dma_semaphore, #tpu.memory_space<semaphore_mem>>)
        %dma_wait3A_32 = tpu.memref_slice %arg4[%add3A_14] : memref<320000xi32, #tpu.memory_space<hbm>> -> memref<80xi32, #tpu.memory_space<hbm>>
        %dma_wait3A_33 = tpu.memref_slice %arg4[%add3A_14] : memref<320000xi32, #tpu.memory_space<hbm>> -> memref<80xi32, #tpu.memory_space<hbm>>
        tpu.wait_dma2 semaphore(%run_scoped3A : memref<!tpu.dma_semaphore, #tpu.memory_space<semaphore_mem>>) src(%dma_wait3A_33 : memref<80xi32, #tpu.memory_space<hbm>>) dst(%arg7 : memref<80xi32, #tpu.memory_space<vmem>>)
        tpu.yield
      }) : () -> ()
      "tpu.region"() ({
        %run_scoped3A = tpu.sem_alloc : memref<!tpu.dma_semaphore, #tpu.memory_space<semaphore_mem>>
        %dma_start3A_30 = tpu.memref_slice %arg5[%add3A_14] : memref<320000xi32, #tpu.memory_space<hbm>> -> memref<80xi32, #tpu.memory_space<hbm>>
        %dma_start3A_31 = tpu.memref_slice %arg5[%add3A_14] : memref<320000xi32, #tpu.memory_space<hbm>> -> memref<80xi32, #tpu.memory_space<hbm>>
        tpu.enqueue_dma source(%dma_start3A_31 : memref<80xi32, #tpu.memory_space<hbm>>) target(%arg8 : memref<80xi32, #tpu.memory_space<vmem>>) target_semaphore(%run_scoped3A : memref<!tpu.dma_semaphore, #tpu.memory_space<semaphore_mem>>)
        %dma_wait3A_32 = tpu.memref_slice %arg5[%add3A_14] : memref<320000xi32, #tpu.memory_space<hbm>> -> memref<80xi32, #tpu.memory_space<hbm>>
        %dma_wait3A_33 = tpu.memref_slice %arg5[%add3A_14] : memref<320000xi32, #tpu.memory_space<hbm>> -> memref<80xi32, #tpu.memory_space<hbm>>
        tpu.wait_dma2 semaphore(%run_scoped3A : memref<!tpu.dma_semaphore, #tpu.memory_space<semaphore_mem>>) src(%dma_wait3A_33 : memref<80xi32, #tpu.memory_space<hbm>>) dst(%arg8 : memref<80xi32, #tpu.memory_space<vmem>>)
        tpu.yield
      }) : () -> ()
      %dma_start3A = arith.constant 0 : i32
      %dma_start3A_15 = arith.constant 0 : i32
      %dma_start3A_16 = tpu.memref_slice %arg2[%dma_start3A, %dma_start3A_15] : memref<10000x128xf32, #tpu.memory_space<hbm>> -> memref<10000x128xf32, #tpu.memory_space<hbm>>
      tpu.enqueue_indirect_dma source(%dma_start3A_16 : memref<10000x128xf32, #tpu.memory_space<hbm>>) target(%arg9 : memref<80x128xf32, #tpu.memory_space<vmem>>) offsets(%arg7 : memref<80xi32, #tpu.memory_space<vmem>>) semaphore(%arg11 : memref<!tpu.dma_semaphore, #tpu.memory_space<semaphore_mem>>)
      %dma_start3A_17 = arith.constant 0 : i32
      %dma_start3A_18 = arith.constant 0 : i32
      %dma_start3A_19 = tpu.memref_slice %arg3[%dma_start3A_17, %dma_start3A_18] : memref<10000x128xf32, #tpu.memory_space<hbm>> -> memref<10000x128xf32, #tpu.memory_space<hbm>>
      tpu.enqueue_indirect_dma source(%dma_start3A_19 : memref<10000x128xf32, #tpu.memory_space<hbm>>) target(%arg10 : memref<80x128xf32, #tpu.memory_space<vmem>>) offsets(%arg8 : memref<80xi32, #tpu.memory_space<vmem>>) semaphore(%arg12 : memref<!tpu.dma_semaphore, #tpu.memory_space<semaphore_mem>>)
      %dma_wait3A = arith.constant 0 : i32
      %dma_wait3A_20 = arith.constant 0 : i32
      %dma_wait3A_21 = tpu.memref_slice %arg2[%dma_wait3A, %dma_wait3A_20] : memref<10000x128xf32, #tpu.memory_space<hbm>> -> memref<10000x128xf32, #tpu.memory_space<hbm>>
      tpu.wait_indirect_dma semaphore(%arg11 : memref<!tpu.dma_semaphore, #tpu.memory_space<semaphore_mem>>) src(%dma_wait3A_21 : memref<10000x128xf32, #tpu.memory_space<hbm>>) dst(%arg9 : memref<80x128xf32, #tpu.memory_space<vmem>>)
      %dma_wait3A_22 = arith.constant 0 : i32
      %dma_wait3A_23 = arith.constant 0 : i32
      %dma_wait3A_24 = tpu.memref_slice %arg3[%dma_wait3A_22, %dma_wait3A_23] : memref<10000x128xf32, #tpu.memory_space<hbm>> -> memref<10000x128xf32, #tpu.memory_space<hbm>>
      tpu.wait_indirect_dma semaphore(%arg12 : memref<!tpu.dma_semaphore, #tpu.memory_space<semaphore_mem>>) src(%dma_wait3A_24 : memref<10000x128xf32, #tpu.memory_space<hbm>>) dst(%arg10 : memref<80x128xf32, #tpu.memory_space<vmem>>)
      %scan3A_25 = arith.constant 0 : i32
      %scan3A_26 = arith.constant 80 : i32
      %scan3A_27 = arith.addi %scan3A_25, %scan3A_26 : i32
      %scan3A_28 = arith.constant 1 : i32
      scf.for %scan3A_30 = %scan3A_25 to %scan3A_27 step %scan3A_28  : i32 {
        %mul3A_31 = arith.constant 1 : i32
        %mul3A_32 = arith.muli %scan3A_30, %mul3A_31 : i32
        %add3A_33 = arith.constant 0 : i32
        %add3A_34 = arith.addi %add3A_33, %mul3A_32 : i32
        %scan3A_35 = arith.constant 0 : i32
        %scan3A_36 = arith.constant 8 : i32
        %scan3A_37 = arith.addi %scan3A_35, %scan3A_36 : i32
        %scan3A_38 = arith.constant 1 : i32
        scf.for %scan3A_40 = %scan3A_35 to %scan3A_37 step %scan3A_38  : i32 {
          %mul3A_41 = arith.constant 16 : i32
          %mul3A_42 = arith.muli %scan3A_40, %mul3A_41 : i32
          %add3A_43 = arith.constant 0 : i32
          %add3A_44 = arith.addi %add3A_43, %mul3A_42 : i32
          %get3A = arith.index_cast %add3A_34 : i32 to index
          %get3A_45 = arith.index_cast %add3A_44 : i32 to index
          %get3A_46 = tpu.vector_load %arg9[%get3A, %get3A_45] {strides = array<i32>} : memref<80x128xf32, #tpu.memory_space<vmem>>, vector<1x16xf32>,
          %get3A_47 = vector.shape_cast %get3A_46 : vector<1x16xf32> to vector<1x16xf32>
          %get3A_48 = arith.index_cast %add3A_34 : i32 to index
          %get3A_49 = arith.index_cast %add3A_44 : i32 to index
          %get3A_50 = tpu.vector_load %arg10[%get3A_48, %get3A_49] {strides = array<i32>} : memref<80x128xf32, #tpu.memory_space<vmem>>, vector<1x16xf32>,
          %get3A_51 = vector.shape_cast %get3A_50 : vector<1x16xf32> to vector<1x16xf32>
          %add3A_52 = arith.addf %get3A_47, %get3A_51 : vector<1x16xf32>
          %swap3A = arith.index_cast %add3A_34 : i32 to index
          %swap3A_53 = arith.index_cast %add3A_44 : i32 to index
          %swap3A_54 = tpu.vector_load %arg9[%swap3A, %swap3A_53] {strides = array<i32>} : memref<80x128xf32, #tpu.memory_space<vmem>>, vector<1x16xf32>,
          %swap3A_55 = vector.shape_cast %swap3A_54 : vector<1x16xf32> to vector<1x16xf32>
          %swap3A_56 = vector.shape_cast %add3A_52 : vector<1x16xf32> to vector<1x16xf32>
          tpu.vector_store %arg9[%swap3A, %swap3A_53], %swap3A_56 {strides = array<i32>} : memref<80x128xf32, #tpu.memory_space<vmem>>, vector<1x16xf32>,
        }
        %scan3A_39 = arith.constant 8 : i32
      }
      %scan3A_29 = arith.constant 80 : i32
      "tpu.region"() ({
        %run_scoped3A = tpu.sem_alloc : memref<!tpu.dma_semaphore, #tpu.memory_space<semaphore_mem>>
        %dma_start3A_30 = arith.constant 0 : i32
        %dma_start3A_31 = tpu.memref_slice %arg6[%add3A_14, %dma_start3A_30] : memref<320000x128xf32, #tpu.memory_space<hbm>> -> memref<80x128xf32, #tpu.memory_space<hbm>>
        %dma_start3A_32 = arith.constant 0 : i32
        %dma_start3A_33 = tpu.memref_slice %arg6[%add3A_14, %dma_start3A_32] : memref<320000x128xf32, #tpu.memory_space<hbm>> -> memref<80x128xf32, #tpu.memory_space<hbm>>
        tpu.enqueue_dma source(%arg9 : memref<80x128xf32, #tpu.memory_space<vmem>>) target(%dma_start3A_33 : memref<80x128xf32, #tpu.memory_space<hbm>>) target_semaphore(%run_scoped3A : memref<!tpu.dma_semaphore, #tpu.memory_space<semaphore_mem>>)
        %dma_wait3A_34 = arith.constant 0 : i32
        %dma_wait3A_35 = tpu.memref_slice %arg6[%add3A_14, %dma_wait3A_34] : memref<320000x128xf32, #tpu.memory_space<hbm>> -> memref<80x128xf32, #tpu.memory_space<hbm>>
        %dma_wait3A_36 = arith.constant 0 : i32
        %dma_wait3A_37 = tpu.memref_slice %arg6[%add3A_14, %dma_wait3A_36] : memref<320000x128xf32, #tpu.memory_space<hbm>> -> memref<80x128xf32, #tpu.memory_space<hbm>>
        tpu.wait_dma2 semaphore(%run_scoped3A : memref<!tpu.dma_semaphore, #tpu.memory_space<semaphore_mem>>) src(%arg9 : memref<80x128xf32, #tpu.memory_space<vmem>>) dst(%dma_wait3A_37 : memref<80x128xf32, #tpu.memory_space<hbm>>)
        tpu.yield
      }) : () -> ()
    }
    %scan3A_6 = arith.constant 125 : i32
    return
  }
}

#map = affine_map<(d0, d1) -> (0, 0)>
#map1 = affine_map<(d0, d1) -> (0)>
module attributes {stable_mosaic.version = 14 : i64} {
  func.func @_sc_scatter_add(%arg0: i32, %arg1: i32, %arg2: memref<320000x128xf32, #tpu.memory_space<hbm>>, %arg3: memref<320000xi32, #tpu.memory_space<hbm>>, %arg4: memref<80x128xf32, #tpu.memory_space<hbm>>, %arg5: memref<20480x128xf32, #tpu.memory_space<hbm>>, %arg6: memref<80xi32, #tpu.memory_space<vmem>>, %arg7: memref<80x128xf32, #tpu.memory_space<vmem>>, %arg8: memref<80x128xf32, #tpu.memory_space<vmem>>, %arg9: memref<10240x128xf32, #tpu.memory_space<vmem_shared>>) attributes {dimension_semantics = [#tpu.dimension_semantics<core_parallel>, #tpu.dimension_semantics<subcore_parallel>], iteration_bounds = array<i64: 2, 16>, scalar_prefetch = 0 : i64, scratch_operands = 4 : i64, tpu.core_type = #tpu.core_type<sc_vector_subcore>, window_params = [{transform_indices = #map}, {transform_indices = #map1}, {transform_indices = #map}, {transform_indices = #map}]} {
    "tpu.region"() ({
      %run_scoped3A = tpu.sem_alloc : memref<!tpu.dma_semaphore, #tpu.memory_space<semaphore_mem>>
      tpu.enqueue_dma source(%arg4 : memref<80x128xf32, #tpu.memory_space<hbm>>) target(%arg8 : memref<80x128xf32, #tpu.memory_space<vmem>>) target_semaphore(%run_scoped3A : memref<!tpu.dma_semaphore, #tpu.memory_space<semaphore_mem>>)
      tpu.wait_dma2 semaphore(%run_scoped3A : memref<!tpu.dma_semaphore, #tpu.memory_space<semaphore_mem>>) src(%arg4 : memref<80x128xf32, #tpu.memory_space<hbm>>) dst(%arg8 : memref<80x128xf32, #tpu.memory_space<vmem>>)
      tpu.yield
    }) : () -> ()
    %scan3A = arith.constant 0 : i32
    %scan3A_0 = arith.constant 8 : i32
    %scan3A_1 = arith.addi %scan3A, %scan3A_0 : i32
    %scan3A_2 = arith.constant 1 : i32
    scf.for %scan3A_20 = %scan3A to %scan3A_1 step %scan3A_2  : i32 {
      %mul3A_21 = arith.constant 1 : i32
      %mul3A_22 = arith.muli %scan3A_20, %mul3A_21 : i32
      %add3A_23 = arith.constant 0 : i32
      %add3A_24 = arith.addi %add3A_23, %mul3A_22 : i32
      %mul3A_25 = arith.constant 640 : i32
      %mul3A_26 = arith.muli %arg1, %mul3A_25 : i32
      %mul3A_27 = arith.constant 80 : i32
      %mul3A_28 = arith.muli %add3A_24, %mul3A_27 : i32
      %add3A_29 = arith.addi %mul3A_26, %mul3A_28 : i32
      "tpu.region"() ({
        %run_scoped3A = tpu.sem_alloc : memref<!tpu.dma_semaphore, #tpu.memory_space<semaphore_mem>>
        %dma_start3A = arith.constant 0 : i32
        %dma_start3A_30 = tpu.memref_slice %arg9[%add3A_29, %dma_start3A] : memref<10240x128xf32, #tpu.memory_space<vmem_shared>> -> memref<80x128xf32, #tpu.memory_space<vmem_shared>>
        %dma_start3A_31 = arith.constant 0 : i32
        %dma_start3A_32 = tpu.memref_slice %arg9[%add3A_29, %dma_start3A_31] : memref<10240x128xf32, #tpu.memory_space<vmem_shared>> -> memref<80x128xf32, #tpu.memory_space<vmem_shared>>
        tpu.enqueue_dma source(%arg8 : memref<80x128xf32, #tpu.memory_space<vmem>>) target(%dma_start3A_32 : memref<80x128xf32, #tpu.memory_space<vmem_shared>>) target_semaphore(%run_scoped3A : memref<!tpu.dma_semaphore, #tpu.memory_space<semaphore_mem>>)
        %dma_wait3A = arith.constant 0 : i32
        %dma_wait3A_33 = tpu.memref_slice %arg9[%add3A_29, %dma_wait3A] : memref<10240x128xf32, #tpu.memory_space<vmem_shared>> -> memref<80x128xf32, #tpu.memory_space<vmem_shared>>
        %dma_wait3A_34 = arith.constant 0 : i32
        %dma_wait3A_35 = tpu.memref_slice %arg9[%add3A_29, %dma_wait3A_34] : memref<10240x128xf32, #tpu.memory_space<vmem_shared>> -> memref<80x128xf32, #tpu.memory_space<vmem_shared>>
        tpu.wait_dma2 semaphore(%run_scoped3A : memref<!tpu.dma_semaphore, #tpu.memory_space<semaphore_mem>>) src(%arg8 : memref<80x128xf32, #tpu.memory_space<vmem>>) dst(%dma_wait3A_35 : memref<80x128xf32, #tpu.memory_space<vmem_shared>>)
        tpu.yield
      }) : () -> ()
    }
    %scan3A_3 = arith.constant 8 : i32
    %barrier3A = arith.constant 0 : index
    tpu.barrier barrier_id(%barrier3A)
    %mul3A = arith.constant 160000 : i32
    %mul3A_4 = arith.muli %arg0, %mul3A : i32
    %mul3A_5 = arith.constant 10000 : i32
    %mul3A_6 = arith.muli %arg1, %mul3A_5 : i32
    %add3A = arith.addi %mul3A_4, %mul3A_6 : i32
    %scan3A_7 = arith.constant 0 : i32
    %scan3A_8 = arith.constant 125 : i32
    %scan3A_9 = arith.addi %scan3A_7, %scan3A_8 : i32
    %scan3A_10 = arith.constant 1 : i32
    scf.for %scan3A_20 = %scan3A_7 to %scan3A_9 step %scan3A_10  : i32 {
      %mul3A_21 = arith.constant 1 : i32
      %mul3A_22 = arith.muli %scan3A_20, %mul3A_21 : i32
      %add3A_23 = arith.constant 0 : i32
      %add3A_24 = arith.addi %add3A_23, %mul3A_22 : i32
      %mul3A_25 = arith.constant 80 : i32
      %mul3A_26 = arith.muli %add3A_24, %mul3A_25 : i32
      %add3A_27 = arith.addi %add3A, %mul3A_26 : i32
      "tpu.region"() ({
        %run_scoped3A = tpu.sem_alloc : memref<!tpu.dma_semaphore, #tpu.memory_space<semaphore_mem>>
        %dma_start3A = tpu.memref_slice %arg3[%add3A_27] : memref<320000xi32, #tpu.memory_space<hbm>> -> memref<80xi32, #tpu.memory_space<hbm>>
        %dma_start3A_28 = tpu.memref_slice %arg3[%add3A_27] : memref<320000xi32, #tpu.memory_space<hbm>> -> memref<80xi32, #tpu.memory_space<hbm>>
        tpu.enqueue_dma source(%dma_start3A_28 : memref<80xi32, #tpu.memory_space<hbm>>) target(%arg6 : memref<80xi32, #tpu.memory_space<vmem>>) target_semaphore(%run_scoped3A : memref<!tpu.dma_semaphore, #tpu.memory_space<semaphore_mem>>)
        %dma_wait3A = tpu.memref_slice %arg3[%add3A_27] : memref<320000xi32, #tpu.memory_space<hbm>> -> memref<80xi32, #tpu.memory_space<hbm>>
        %dma_wait3A_29 = tpu.memref_slice %arg3[%add3A_27] : memref<320000xi32, #tpu.memory_space<hbm>> -> memref<80xi32, #tpu.memory_space<hbm>>
        tpu.wait_dma2 semaphore(%run_scoped3A : memref<!tpu.dma_semaphore, #tpu.memory_space<semaphore_mem>>) src(%dma_wait3A_29 : memref<80xi32, #tpu.memory_space<hbm>>) dst(%arg6 : memref<80xi32, #tpu.memory_space<vmem>>)
        tpu.yield
      }) : () -> ()
      "tpu.region"() ({
        %run_scoped3A = tpu.sem_alloc : memref<!tpu.dma_semaphore, #tpu.memory_space<semaphore_mem>>
        %dma_start3A = arith.constant 0 : i32
        %dma_start3A_28 = tpu.memref_slice %arg2[%add3A_27, %dma_start3A] : memref<320000x128xf32, #tpu.memory_space<hbm>> -> memref<80x128xf32, #tpu.memory_space<hbm>>
        %dma_start3A_29 = arith.constant 0 : i32
        %dma_start3A_30 = tpu.memref_slice %arg2[%add3A_27, %dma_start3A_29] : memref<320000x128xf32, #tpu.memory_space<hbm>> -> memref<80x128xf32, #tpu.memory_space<hbm>>
        tpu.enqueue_dma source(%dma_start3A_30 : memref<80x128xf32, #tpu.memory_space<hbm>>) target(%arg7 : memref<80x128xf32, #tpu.memory_space<vmem>>) target_semaphore(%run_scoped3A : memref<!tpu.dma_semaphore, #tpu.memory_space<semaphore_mem>>)
        %dma_wait3A = arith.constant 0 : i32
        %dma_wait3A_31 = tpu.memref_slice %arg2[%add3A_27, %dma_wait3A] : memref<320000x128xf32, #tpu.memory_space<hbm>> -> memref<80x128xf32, #tpu.memory_space<hbm>>
        %dma_wait3A_32 = arith.constant 0 : i32
        %dma_wait3A_33 = tpu.memref_slice %arg2[%add3A_27, %dma_wait3A_32] : memref<320000x128xf32, #tpu.memory_space<hbm>> -> memref<80x128xf32, #tpu.memory_space<hbm>>
        tpu.wait_dma2 semaphore(%run_scoped3A : memref<!tpu.dma_semaphore, #tpu.memory_space<semaphore_mem>>) src(%dma_wait3A_33 : memref<80x128xf32, #tpu.memory_space<hbm>>) dst(%arg7 : memref<80x128xf32, #tpu.memory_space<vmem>>)
        tpu.yield
      }) : () -> ()
      "tpu.region"() ({
        %run_scoped3A = tpu.sem_alloc : memref<!tpu.dma_semaphore, #tpu.memory_space<semaphore_mem>>
        %dma_start3A = arith.constant 0 : i32
        %dma_start3A_28 = arith.constant 0 : i32
        %dma_start3A_29 = tpu.memref_slice %arg9[%dma_start3A, %dma_start3A_28] : memref<10240x128xf32, #tpu.memory_space<vmem_shared>> -> memref<10240x128xf32, #tpu.memory_space<vmem_shared>>
        tpu.enqueue_indirect_dma source(%arg7 : memref<80x128xf32, #tpu.memory_space<vmem>>) target(%dma_start3A_29 : memref<10240x128xf32, #tpu.memory_space<vmem_shared>>) offsets(%arg6 : memref<80xi32, #tpu.memory_space<vmem>>) semaphore(%run_scoped3A : memref<!tpu.dma_semaphore, #tpu.memory_space<semaphore_mem>>) {add = true}
        %dma_wait3A = arith.constant 0 : i32
        %dma_wait3A_30 = arith.constant 0 : i32
        %dma_wait3A_31 = tpu.memref_slice %arg9[%dma_wait3A, %dma_wait3A_30] : memref<10240x128xf32, #tpu.memory_space<vmem_shared>> -> memref<10240x128xf32, #tpu.memory_space<vmem_shared>>
        tpu.wait_indirect_dma semaphore(%run_scoped3A : memref<!tpu.dma_semaphore, #tpu.memory_space<semaphore_mem>>) src(%arg7 : memref<80x128xf32, #tpu.memory_space<vmem>>) dst(%dma_wait3A_31 : memref<10240x128xf32, #tpu.memory_space<vmem_shared>>)
        tpu.yield
      }) : () -> ()
    }
    %scan3A_11 = arith.constant 125 : i32
    %barrier3A_12 = arith.constant 0 : index
    tpu.barrier barrier_id(%barrier3A_12)
    %mul3A_13 = arith.constant 640 : i32
    %mul3A_14 = arith.muli %arg1, %mul3A_13 : i32
    %mul3A_15 = arith.constant 10240 : i32
    %mul3A_16 = arith.muli %arg0, %mul3A_15 : i32
    %mul3A_17 = arith.constant 640 : i32
    %mul3A_18 = arith.muli %arg1, %mul3A_17 : i32
    %add3A_19 = arith.addi %mul3A_16, %mul3A_18 : i32
    "tpu.region"() ({
      %run_scoped3A = tpu.sem_alloc : memref<!tpu.dma_semaphore, #tpu.memory_space<semaphore_mem>>
      %dma_start3A = arith.constant 0 : i32
      %dma_start3A_20 = tpu.memref_slice %arg5[%add3A_19, %dma_start3A] : memref<20480x128xf32, #tpu.memory_space<hbm>> -> memref<640x128xf32, #tpu.memory_space<hbm>>
      %dma_start3A_21 = arith.constant 0 : i32
      %dma_start3A_22 = tpu.memref_slice %arg9[%mul3A_14, %dma_start3A_21] : memref<10240x128xf32, #tpu.memory_space<vmem_shared>> -> memref<640x128xf32, #tpu.memory_space<vmem_shared>>
      tpu.enqueue_dma source(%dma_start3A_22 : memref<640x128xf32, #tpu.memory_space<vmem_shared>>) target(%dma_start3A_20 : memref<640x128xf32, #tpu.memory_space<hbm>>) target_semaphore(%run_scoped3A : memref<!tpu.dma_semaphore, #tpu.memory_space<semaphore_mem>>)
      %dma_wait3A = arith.constant 0 : i32
      %dma_wait3A_23 = tpu.memref_slice %arg5[%add3A_19, %dma_wait3A] : memref<20480x128xf32, #tpu.memory_space<hbm>> -> memref<640x128xf32, #tpu.memory_space<hbm>>
      %dma_wait3A_24 = arith.constant 0 : i32
      %dma_wait3A_25 = tpu.memref_slice %arg9[%mul3A_14, %dma_wait3A_24] : memref<10240x128xf32, #tpu.memory_space<vmem_shared>> -> memref<640x128xf32, #tpu.memory_space<vmem_shared>>
      tpu.wait_dma2 semaphore(%run_scoped3A : memref<!tpu.dma_semaphore, #tpu.memory_space<semaphore_mem>>) src(%dma_wait3A_25 : memref<640x128xf32, #tpu.memory_space<vmem_shared>>) dst(%dma_wait3A_23 : memref<640x128xf32, #tpu.memory_space<hbm>>)
      tpu.yield
    }) : () -> ()
    return
  }
}

#map = affine_map<(d0, d1) -> (0, 0)>
#map1 = affine_map<(d0, d1) -> (0)>
module attributes {stable_mosaic.version = 14 : i64} {
  func.func @_sc_gather_add(%arg0: i32, %arg1: i32, %arg2: memref<10000x128xf32, #tpu.memory_space<hbm>>, %arg3: memref<10000x128xf32, #tpu.memory_space<hbm>>, %arg4: memref<320000xi32, #tpu.memory_space<hbm>>, %arg5: memref<320000xi32, #tpu.memory_space<hbm>>, %arg6: memref<320000x128xf32, #tpu.memory_space<hbm>>, %arg7: memref<80xi32, #tpu.memory_space<vmem>>, %arg8: memref<80xi32, #tpu.memory_space<vmem>>, %arg9: memref<80x128xf32, #tpu.memory_space<vmem>>, %arg10: memref<80x128xf32, #tpu.memory_space<vmem>>, %arg11: memref<!tpu.dma_semaphore, #tpu.memory_space<semaphore_mem>>, %arg12: memref<!tpu.dma_semaphore, #tpu.memory_space<semaphore_mem>>) attributes {dimension_semantics = [#tpu.dimension_semantics<core_parallel>, #tpu.dimension_semantics<subcore_parallel>], iteration_bounds = array<i64: 2, 16>, scalar_prefetch = 0 : i64, scratch_operands = 6 : i64, tpu.core_type = #tpu.core_type<sc_vector_subcore>, window_params = [{transform_indices = #map}, {transform_indices = #map}, {transform_indices = #map1}, {transform_indices = #map1}, {transform_indices = #map}]} {
    %mul3A = arith.constant 2 : i32
    %mul3A_0 = arith.muli %arg1, %mul3A : i32
    %add3A = arith.addi %mul3A_0, %arg0 : i32
    %mul3A_1 = arith.constant 10000 : i32
    %mul3A_2 = arith.muli %add3A, %mul3A_1 : i32
    %scan3A = arith.constant 0 : i32
    %scan3A_3 = arith.constant 125 : i32
    %scan3A_4 = arith.addi %scan3A, %scan3A_3 : i32
    %scan3A_5 = arith.constant 1 : i32
    scf.for %scan3A_7 = %scan3A to %scan3A_4 step %scan3A_5  : i32 {
      %mul3A_8 = arith.constant 1 : i32
      %mul3A_9 = arith.muli %scan3A_7, %mul3A_8 : i32
      %add3A_10 = arith.constant 0 : i32
      %add3A_11 = arith.addi %add3A_10, %mul3A_9 : i32
      %mul3A_12 = arith.constant 80 : i32
      %mul3A_13 = arith.muli %add3A_11, %mul3A_12 : i32
      %add3A_14 = arith.addi %mul3A_2, %mul3A_13 : i32
      "tpu.region"() ({
        %run_scoped3A = tpu.sem_alloc : memref<!tpu.dma_semaphore, #tpu.memory_space<semaphore_mem>>
        %dma_start3A_30 = tpu.memref_slice %arg4[%add3A_14] : memref<320000xi32, #tpu.memory_space<hbm>> -> memref<80xi32, #tpu.memory_space<hbm>>
        %dma_start3A_31 = tpu.memref_slice %arg4[%add3A_14] : memref<320000xi32, #tpu.memory_space<hbm>> -> memref<80xi32, #tpu.memory_space<hbm>>
        tpu.enqueue_dma source(%dma_start3A_31 : memref<80xi32, #tpu.memory_space<hbm>>) target(%arg7 : memref<80xi32, #tpu.memory_space<vmem>>) target_semaphore(%run_scoped3A : memref<!tpu.dma_semaphore, #tpu.memory_space<semaphore_mem>>)
        %dma_wait3A_32 = tpu.memref_slice %arg4[%add3A_14] : memref<320000xi32, #tpu.memory_space<hbm>> -> memref<80xi32, #tpu.memory_space<hbm>>
        %dma_wait3A_33 = tpu.memref_slice %arg4[%add3A_14] : memref<320000xi32, #tpu.memory_space<hbm>> -> memref<80xi32, #tpu.memory_space<hbm>>
        tpu.wait_dma2 semaphore(%run_scoped3A : memref<!tpu.dma_semaphore, #tpu.memory_space<semaphore_mem>>) src(%dma_wait3A_33 : memref<80xi32, #tpu.memory_space<hbm>>) dst(%arg7 : memref<80xi32, #tpu.memory_space<vmem>>)
        tpu.yield
      }) : () -> ()
      "tpu.region"() ({
        %run_scoped3A = tpu.sem_alloc : memref<!tpu.dma_semaphore, #tpu.memory_space<semaphore_mem>>
        %dma_start3A_30 = tpu.memref_slice %arg5[%add3A_14] : memref<320000xi32, #tpu.memory_space<hbm>> -> memref<80xi32, #tpu.memory_space<hbm>>
        %dma_start3A_31 = tpu.memref_slice %arg5[%add3A_14] : memref<320000xi32, #tpu.memory_space<hbm>> -> memref<80xi32, #tpu.memory_space<hbm>>
        tpu.enqueue_dma source(%dma_start3A_31 : memref<80xi32, #tpu.memory_space<hbm>>) target(%arg8 : memref<80xi32, #tpu.memory_space<vmem>>) target_semaphore(%run_scoped3A : memref<!tpu.dma_semaphore, #tpu.memory_space<semaphore_mem>>)
        %dma_wait3A_32 = tpu.memref_slice %arg5[%add3A_14] : memref<320000xi32, #tpu.memory_space<hbm>> -> memref<80xi32, #tpu.memory_space<hbm>>
        %dma_wait3A_33 = tpu.memref_slice %arg5[%add3A_14] : memref<320000xi32, #tpu.memory_space<hbm>> -> memref<80xi32, #tpu.memory_space<hbm>>
        tpu.wait_dma2 semaphore(%run_scoped3A : memref<!tpu.dma_semaphore, #tpu.memory_space<semaphore_mem>>) src(%dma_wait3A_33 : memref<80xi32, #tpu.memory_space<hbm>>) dst(%arg8 : memref<80xi32, #tpu.memory_space<vmem>>)
        tpu.yield
      }) : () -> ()
      %dma_start3A = arith.constant 0 : i32
      %dma_start3A_15 = arith.constant 0 : i32
      %dma_start3A_16 = tpu.memref_slice %arg2[%dma_start3A, %dma_start3A_15] : memref<10000x128xf32, #tpu.memory_space<hbm>> -> memref<10000x128xf32, #tpu.memory_space<hbm>>
      tpu.enqueue_indirect_dma source(%dma_start3A_16 : memref<10000x128xf32, #tpu.memory_space<hbm>>) target(%arg9 : memref<80x128xf32, #tpu.memory_space<vmem>>) offsets(%arg7 : memref<80xi32, #tpu.memory_space<vmem>>) semaphore(%arg11 : memref<!tpu.dma_semaphore, #tpu.memory_space<semaphore_mem>>)
      %dma_start3A_17 = arith.constant 0 : i32
      %dma_start3A_18 = arith.constant 0 : i32
      %dma_start3A_19 = tpu.memref_slice %arg3[%dma_start3A_17, %dma_start3A_18] : memref<10000x128xf32, #tpu.memory_space<hbm>> -> memref<10000x128xf32, #tpu.memory_space<hbm>>
      tpu.enqueue_indirect_dma source(%dma_start3A_19 : memref<10000x128xf32, #tpu.memory_space<hbm>>) target(%arg10 : memref<80x128xf32, #tpu.memory_space<vmem>>) offsets(%arg8 : memref<80xi32, #tpu.memory_space<vmem>>) semaphore(%arg12 : memref<!tpu.dma_semaphore, #tpu.memory_space<semaphore_mem>>)
      %dma_wait3A = arith.constant 0 : i32
      %dma_wait3A_20 = arith.constant 0 : i32
      %dma_wait3A_21 = tpu.memref_slice %arg2[%dma_wait3A, %dma_wait3A_20] : memref<10000x128xf32, #tpu.memory_space<hbm>> -> memref<10000x128xf32, #tpu.memory_space<hbm>>
      tpu.wait_indirect_dma semaphore(%arg11 : memref<!tpu.dma_semaphore, #tpu.memory_space<semaphore_mem>>) src(%dma_wait3A_21 : memref<10000x128xf32, #tpu.memory_space<hbm>>) dst(%arg9 : memref<80x128xf32, #tpu.memory_space<vmem>>)
      %dma_wait3A_22 = arith.constant 0 : i32
      %dma_wait3A_23 = arith.constant 0 : i32
      %dma_wait3A_24 = tpu.memref_slice %arg3[%dma_wait3A_22, %dma_wait3A_23] : memref<10000x128xf32, #tpu.memory_space<hbm>> -> memref<10000x128xf32, #tpu.memory_space<hbm>>
      tpu.wait_indirect_dma semaphore(%arg12 : memref<!tpu.dma_semaphore, #tpu.memory_space<semaphore_mem>>) src(%dma_wait3A_24 : memref<10000x128xf32, #tpu.memory_space<hbm>>) dst(%arg10 : memref<80x128xf32, #tpu.memory_space<vmem>>)
      %scan3A_25 = arith.constant 0 : i32
      %scan3A_26 = arith.constant 80 : i32
      %scan3A_27 = arith.addi %scan3A_25, %scan3A_26 : i32
      %scan3A_28 = arith.constant 1 : i32
      scf.for %scan3A_30 = %scan3A_25 to %scan3A_27 step %scan3A_28  : i32 {
        %mul3A_31 = arith.constant 1 : i32
        %mul3A_32 = arith.muli %scan3A_30, %mul3A_31 : i32
        %add3A_33 = arith.constant 0 : i32
        %add3A_34 = arith.addi %add3A_33, %mul3A_32 : i32
        %scan3A_35 = arith.constant 0 : i32
        %scan3A_36 = arith.constant 8 : i32
        %scan3A_37 = arith.addi %scan3A_35, %scan3A_36 : i32
        %scan3A_38 = arith.constant 1 : i32
        scf.for %scan3A_40 = %scan3A_35 to %scan3A_37 step %scan3A_38  : i32 {
          %mul3A_41 = arith.constant 16 : i32
          %mul3A_42 = arith.muli %scan3A_40, %mul3A_41 : i32
          %add3A_43 = arith.constant 0 : i32
          %add3A_44 = arith.addi %add3A_43, %mul3A_42 : i32
          %get3A = arith.index_cast %add3A_34 : i32 to index
          %get3A_45 = arith.index_cast %add3A_44 : i32 to index
          %get3A_46 = tpu.vector_load %arg9[%get3A, %get3A_45] {strides = array<i32>} : memref<80x128xf32, #tpu.memory_space<vmem>>, vector<1x16xf32>,
          %get3A_47 = vector.shape_cast %get3A_46 : vector<1x16xf32> to vector<1x16xf32>
          %get3A_48 = arith.index_cast %add3A_34 : i32 to index
          %get3A_49 = arith.index_cast %add3A_44 : i32 to index
          %get3A_50 = tpu.vector_load %arg10[%get3A_48, %get3A_49] {strides = array<i32>} : memref<80x128xf32, #tpu.memory_space<vmem>>, vector<1x16xf32>,
          %get3A_51 = vector.shape_cast %get3A_50 : vector<1x16xf32> to vector<1x16xf32>
          %add3A_52 = arith.addf %get3A_47, %get3A_51 : vector<1x16xf32>
          %swap3A = arith.index_cast %add3A_34 : i32 to index
          %swap3A_53 = arith.index_cast %add3A_44 : i32 to index
          %swap3A_54 = tpu.vector_load %arg9[%swap3A, %swap3A_53] {strides = array<i32>} : memref<80x128xf32, #tpu.memory_space<vmem>>, vector<1x16xf32>,
          %swap3A_55 = vector.shape_cast %swap3A_54 : vector<1x16xf32> to vector<1x16xf32>
          %swap3A_56 = vector.shape_cast %add3A_52 : vector<1x16xf32> to vector<1x16xf32>
          tpu.vector_store %arg9[%swap3A, %swap3A_53], %swap3A_56 {strides = array<i32>} : memref<80x128xf32, #tpu.memory_space<vmem>>, vector<1x16xf32>,
        }
        %scan3A_39 = arith.constant 8 : i32
      }
      %scan3A_29 = arith.constant 80 : i32
      "tpu.region"() ({
        %run_scoped3A = tpu.sem_alloc : memref<!tpu.dma_semaphore, #tpu.memory_space<semaphore_mem>>
        %dma_start3A_30 = arith.constant 0 : i32
        %dma_start3A_31 = tpu.memref_slice %arg6[%add3A_14, %dma_start3A_30] : memref<320000x128xf32, #tpu.memory_space<hbm>> -> memref<80x128xf32, #tpu.memory_space<hbm>>
        %dma_start3A_32 = arith.constant 0 : i32
        %dma_start3A_33 = tpu.memref_slice %arg6[%add3A_14, %dma_start3A_32] : memref<320000x128xf32, #tpu.memory_space<hbm>> -> memref<80x128xf32, #tpu.memory_space<hbm>>
        tpu.enqueue_dma source(%arg9 : memref<80x128xf32, #tpu.memory_space<vmem>>) target(%dma_start3A_33 : memref<80x128xf32, #tpu.memory_space<hbm>>) target_semaphore(%run_scoped3A : memref<!tpu.dma_semaphore, #tpu.memory_space<semaphore_mem>>)
        %dma_wait3A_34 = arith.constant 0 : i32
        %dma_wait3A_35 = tpu.memref_slice %arg6[%add3A_14, %dma_wait3A_34] : memref<320000x128xf32, #tpu.memory_space<hbm>> -> memref<80x128xf32, #tpu.memory_space<hbm>>
        %dma_wait3A_36 = arith.constant 0 : i32
        %dma_wait3A_37 = tpu.memref_slice %arg6[%add3A_14, %dma_wait3A_36] : memref<320000x128xf32, #tpu.memory_space<hbm>> -> memref<80x128xf32, #tpu.memory_space<hbm>>
        tpu.wait_dma2 semaphore(%run_scoped3A : memref<!tpu.dma_semaphore, #tpu.memory_space<semaphore_mem>>) src(%arg9 : memref<80x128xf32, #tpu.memory_space<vmem>>) dst(%dma_wait3A_37 : memref<80x128xf32, #tpu.memory_space<hbm>>)
        tpu.yield
      }) : () -> ()
    }
    %scan3A_6 = arith.constant 125 : i32
    return
  }
}

module attributes {stable_mosaic.version = 14 : i64} {
  func.func @_proj_body(%arg0: i32, %arg1: memref<2000x128xf32, #tpu.memory_space<vmem>>, %arg2: memref<128x128xf32, #tpu.memory_space<vmem>>, %arg3: memref<128x128xf32, #tpu.memory_space<vmem>>, %arg4: memref<2000x128xf32, #tpu.memory_space<vmem>>, %arg5: memref<2000x128xf32, #tpu.memory_space<vmem>>) attributes {dimension_semantics = [#tpu.dimension_semantics<arbitrary>], iteration_bounds = array<i64: 5>, scalar_prefetch = 0 : i64, scratch_operands = 0 : i64, tpu.core_type = #tpu.core_type<tc>, window_params = [{transform_indices = @transform_0, window_bounds = array<i64: 2000, 128>}, {pipeline_mode = #tpu.pipeline_mode<synchronous>, transform_indices = @transform_1, window_bounds = array<i64: 128, 128>}, {pipeline_mode = #tpu.pipeline_mode<synchronous>, transform_indices = @transform_2, window_bounds = array<i64: 128, 128>}, {transform_indices = @transform_3, window_bounds = array<i64: 2000, 128>}, {transform_indices = @transform_4, window_bounds = array<i64: 2000, 128>}]} {
    %get3A = arith.constant 0 : index
    %get3A_0 = arith.constant 0 : index
    %get3A_1 = vector.load %arg1[%get3A, %get3A_0] : memref<2000x128xf32, #tpu.memory_space<vmem>>, vector<2000x128xf32>
    %get3A_2 = arith.constant 0 : index
    %get3A_3 = arith.constant 0 : index
    %get3A_4 = vector.load %arg2[%get3A_2, %get3A_3] : memref<128x128xf32, #tpu.memory_space<vmem>>, vector<128x128xf32>
    %dot_general3A = arith.constant dense<0.000000e+00> : vector<2000x128xf32>
    %dot_general3A_5 = tpu.matmul %get3A_1, %get3A_4, %dot_general3A {dimension_numbers = #tpu.dot_dimension_numbers<[1], [0], [0], [1], [0, 0, 1, 1], [], []>, transpose_lhs_hint = false} : vector<2000x128xf32>, vector<128x128xf32>, vector<2000x128xf32> -> vector<2000x128xf32>
    %swap3A = arith.constant 0 : index
    %swap3A_6 = arith.constant 0 : index
    %swap3A_7 = vector.load %arg4[%swap3A, %swap3A_6] : memref<2000x128xf32, #tpu.memory_space<vmem>>, vector<2000x128xf32>
    tpu.vector_store %arg4[%swap3A, %swap3A_6], %dot_general3A_5 {strides = array<i32>} : memref<2000x128xf32, #tpu.memory_space<vmem>>, vector<2000x128xf32>,
    %get3A_8 = arith.constant 0 : index
    %get3A_9 = arith.constant 0 : index
    %get3A_10 = vector.load %arg3[%get3A_8, %get3A_9] : memref<128x128xf32, #tpu.memory_space<vmem>>, vector<128x128xf32>
    %dot_general3A_11 = arith.constant dense<0.000000e+00> : vector<2000x128xf32>
    %dot_general3A_12 = tpu.matmul %get3A_1, %get3A_10, %dot_general3A_11 {dimension_numbers = #tpu.dot_dimension_numbers<[1], [0], [0], [1], [0, 0, 1, 1], [], []>, transpose_lhs_hint = false} : vector<2000x128xf32>, vector<128x128xf32>, vector<2000x128xf32> -> vector<2000x128xf32>
    %swap3A_13 = arith.constant 0 : index
    %swap3A_14 = arith.constant 0 : index
    %swap3A_15 = vector.load %arg5[%swap3A_13, %swap3A_14] : memref<2000x128xf32, #tpu.memory_space<vmem>>, vector<2000x128xf32>
    tpu.vector_store %arg5[%swap3A_13, %swap3A_14], %dot_general3A_12 {strides = array<i32>} : memref<2000x128xf32, #tpu.memory_space<vmem>>, vector<2000x128xf32>,
    return
  }
  func.func @transform_0(%arg0: i32) -> (i32, i32) {
    %c0_i32 = arith.constant 0 : i32
    %c0_i32_0 = arith.constant 0 : i32
    return %arg0, %c0_i32 : i32, i32
  }
  func.func @transform_1(%arg0: i32) -> (i32, i32) {
    %c0_i32 = arith.constant 0 : i32
    %c0_i32_0 = arith.constant 0 : i32
    %c0_i32_1 = arith.constant 0 : i32
    return %c0_i32, %c0_i32_0 : i32, i32
  }
  func.func @transform_2(%arg0: i32) -> (i32, i32) {
    %c0_i32 = arith.constant 0 : i32
    %c0_i32_0 = arith.constant 0 : i32
    %c0_i32_1 = arith.constant 0 : i32
    return %c0_i32, %c0_i32_0 : i32, i32
  }
  func.func @transform_3(%arg0: i32) -> (i32, i32) {
    %c0_i32 = arith.constant 0 : i32
    %c0_i32_0 = arith.constant 0 : i32
    return %arg0, %c0_i32 : i32, i32
  }
  func.func @transform_4(%arg0: i32) -> (i32, i32) {
    %c0_i32 = arith.constant 0 : i32
    %c0_i32_0 = arith.constant 0 : i32
    return %arg0, %c0_i32 : i32, i32
  }
}

module attributes {stable_mosaic.version = 14 : i64} {
  func.func @_edge_body(%arg0: i32, %arg1: memref<2560x128xf32, #tpu.memory_space<vmem>>, %arg2: memref<2560x128xf32, #tpu.memory_space<vmem>>, %arg3: memref<128x128xf32, #tpu.memory_space<vmem>>, %arg4: memref<128x128xf32, #tpu.memory_space<vmem>>, %arg5: memref<128x128xf32, #tpu.memory_space<vmem>>, %arg6: memref<1x128xf32, #tpu.memory_space<vmem>>, %arg7: memref<1x128xf32, #tpu.memory_space<vmem>>, %arg8: memref<1x128xf32, #tpu.memory_space<vmem>>, %arg9: memref<1x128xf32, #tpu.memory_space<vmem>>, %arg10: memref<1x128xf32, #tpu.memory_space<vmem>>, %arg11: memref<2560x128xf32, #tpu.memory_space<vmem>>) attributes {dimension_semantics = [#tpu.dimension_semantics<arbitrary>], iteration_bounds = array<i64: 125>, scalar_prefetch = 0 : i64, scratch_operands = 0 : i64, tpu.core_type = #tpu.core_type<tc>, window_params = [{transform_indices = @transform_0, window_bounds = array<i64: 2560, 128>}, {transform_indices = @transform_1, window_bounds = array<i64: 2560, 128>}, {pipeline_mode = #tpu.pipeline_mode<synchronous>, transform_indices = @transform_2, window_bounds = array<i64: 128, 128>}, {pipeline_mode = #tpu.pipeline_mode<synchronous>, transform_indices = @transform_3, window_bounds = array<i64: 128, 128>}, {pipeline_mode = #tpu.pipeline_mode<synchronous>, transform_indices = @transform_4, window_bounds = array<i64: 128, 128>}, {pipeline_mode = #tpu.pipeline_mode<synchronous>, transform_indices = @transform_5, window_bounds = array<i64: 1, 128>}, {pipeline_mode = #tpu.pipeline_mode<synchronous>, transform_indices = @transform_6, window_bounds = array<i64: 1, 128>}, {pipeline_mode = #tpu.pipeline_mode<synchronous>, transform_indices = @transform_7, window_bounds = array<i64: 1, 128>}, {pipeline_mode = #tpu.pipeline_mode<synchronous>, transform_indices = @transform_8, window_bounds = array<i64: 1, 128>}, {pipeline_mode = #tpu.pipeline_mode<synchronous>, transform_indices = @transform_9, window_bounds = array<i64: 1, 128>}, {transform_indices = @transform_10, window_bounds = array<i64: 2560, 128>}]} {
    %get3A = arith.constant 0 : index
    %get3A_0 = arith.constant 0 : index
    %get3A_1 = vector.load %arg1[%get3A, %get3A_0] : memref<2560x128xf32, #tpu.memory_space<vmem>>, vector<2560x128xf32>
    %get3A_2 = arith.constant 0 : index
    %get3A_3 = arith.constant 0 : index
    %get3A_4 = vector.load %arg3[%get3A_2, %get3A_3] : memref<128x128xf32, #tpu.memory_space<vmem>>, vector<128x128xf32>
    %dot_general3A = arith.constant dense<0.000000e+00> : vector<2560x128xf32>
    %dot_general3A_5 = tpu.matmul %get3A_1, %get3A_4, %dot_general3A {dimension_numbers = #tpu.dot_dimension_numbers<[1], [0], [0], [1], [0, 0, 1, 1], [], []>, transpose_lhs_hint = false} : vector<2560x128xf32>, vector<128x128xf32>, vector<2560x128xf32> -> vector<2560x128xf32>
    %get3A_6 = arith.constant 0 : index
    %get3A_7 = arith.constant 0 : index
    %get3A_8 = vector.load %arg2[%get3A_6, %get3A_7] : memref<2560x128xf32, #tpu.memory_space<vmem>>, vector<2560x128xf32>
    %add3A = arith.addf %dot_general3A_5, %get3A_8 : vector<2560x128xf32>
    %get3A_9 = arith.constant 0 : index
    %get3A_10 = arith.constant 0 : index
    %get3A_11 = vector.load %arg6[%get3A_9, %get3A_10] : memref<1x128xf32, #tpu.memory_space<vmem>>, vector<1x128xf32>
    %add3A_12 = vector.broadcast %get3A_11 : vector<1x128xf32> to vector<2560x128xf32>
    %add3A_13 = arith.addf %add3A, %add3A_12 : vector<2560x128xf32>
    %max3A = arith.constant 0.000000e+00 : f32
    %max3A_14 = vector.broadcast %max3A : f32 to vector<2560x128xf32>
    %max3A_15 = arith.maximumf %add3A_13, %max3A_14 : vector<2560x128xf32>
    %get3A_16 = arith.constant 0 : index
    %get3A_17 = arith.constant 0 : index
    %get3A_18 = vector.load %arg4[%get3A_16, %get3A_17] : memref<128x128xf32, #tpu.memory_space<vmem>>, vector<128x128xf32>
    %dot_general3A_19 = arith.constant dense<0.000000e+00> : vector<2560x128xf32>
    %dot_general3A_20 = tpu.matmul %max3A_15, %get3A_18, %dot_general3A_19 {dimension_numbers = #tpu.dot_dimension_numbers<[1], [0], [0], [1], [0, 0, 1, 1], [], []>, transpose_lhs_hint = false} : vector<2560x128xf32>, vector<128x128xf32>, vector<2560x128xf32> -> vector<2560x128xf32>
    %get3A_21 = arith.constant 0 : index
    %get3A_22 = arith.constant 0 : index
    %get3A_23 = vector.load %arg7[%get3A_21, %get3A_22] : memref<1x128xf32, #tpu.memory_space<vmem>>, vector<1x128xf32>
    %add3A_24 = vector.broadcast %get3A_23 : vector<1x128xf32> to vector<2560x128xf32>
    %add3A_25 = arith.addf %dot_general3A_20, %add3A_24 : vector<2560x128xf32>
    %max3A_26 = arith.constant 0.000000e+00 : f32
    %max3A_27 = vector.broadcast %max3A_26 : f32 to vector<2560x128xf32>
    %max3A_28 = arith.maximumf %add3A_25, %max3A_27 : vector<2560x128xf32>
    %get3A_29 = arith.constant 0 : index
    %get3A_30 = arith.constant 0 : index
    %get3A_31 = vector.load %arg5[%get3A_29, %get3A_30] : memref<128x128xf32, #tpu.memory_space<vmem>>, vector<128x128xf32>
    %dot_general3A_32 = arith.constant dense<0.000000e+00> : vector<2560x128xf32>
    %dot_general3A_33 = tpu.matmul %max3A_28, %get3A_31, %dot_general3A_32 {dimension_numbers = #tpu.dot_dimension_numbers<[1], [0], [0], [1], [0, 0, 1, 1], [], []>, transpose_lhs_hint = false} : vector<2560x128xf32>, vector<128x128xf32>, vector<2560x128xf32> -> vector<2560x128xf32>
    %get3A_34 = arith.constant 0 : index
    %get3A_35 = arith.constant 0 : index
    %get3A_36 = vector.load %arg8[%get3A_34, %get3A_35] : memref<1x128xf32, #tpu.memory_space<vmem>>, vector<1x128xf32>
    %add3A_37 = vector.broadcast %get3A_36 : vector<1x128xf32> to vector<2560x128xf32>
    %add3A_38 = arith.addf %dot_general3A_33, %add3A_37 : vector<2560x128xf32>
    %get3A_39 = arith.constant 0 : index
    %get3A_40 = arith.constant 0 : index
    %get3A_41 = vector.load %arg9[%get3A_39, %get3A_40] : memref<1x128xf32, #tpu.memory_space<vmem>>, vector<1x128xf32>
    %get3A_42 = arith.constant 0 : index
    %get3A_43 = arith.constant 0 : index
    %get3A_44 = vector.load %arg10[%get3A_42, %get3A_43] : memref<1x128xf32, #tpu.memory_space<vmem>>, vector<1x128xf32>
    %reduce_sum3A = arith.constant dense<0.000000e+00> : vector<2560xf32>
    %reduce_sum3A_45 = vector.multi_reduction <add>, %add3A_38, %reduce_sum3A [1] : vector<2560x128xf32> to vector<2560xf32>
    %broadcast_in_dim3A = vector.shape_cast %reduce_sum3A_45 : vector<2560xf32> to vector<2560x1xf32>
    %div3A = arith.constant 1.280000e+02 : f32
    %div3A_46 = vector.broadcast %div3A : f32 to vector<2560x1xf32>
    %div3A_47 = arith.divf %broadcast_in_dim3A, %div3A_46 : vector<2560x1xf32>
    %sub3A = vector.broadcast %div3A_47 : vector<2560x1xf32> to vector<2560x128xf32>
    %sub3A_48 = arith.subf %add3A_38, %sub3A : vector<2560x128xf32>
    %mul3A = arith.mulf %sub3A_48, %sub3A_48 : vector<2560x128xf32>
    %reduce_sum3A_49 = arith.constant dense<0.000000e+00> : vector<2560xf32>
    %reduce_sum3A_50 = vector.multi_reduction <add>, %mul3A, %reduce_sum3A_49 [1] : vector<2560x128xf32> to vector<2560xf32>
    %broadcast_in_dim3A_51 = vector.shape_cast %reduce_sum3A_50 : vector<2560xf32> to vector<2560x1xf32>
    %div3A_52 = arith.constant 1.280000e+02 : f32
    %div3A_53 = vector.broadcast %div3A_52 : f32 to vector<2560x1xf32>
    %div3A_54 = arith.divf %broadcast_in_dim3A_51, %div3A_53 : vector<2560x1xf32>
    %add3A_55 = arith.constant 9.99999974E-6 : f32
    %add3A_56 = vector.broadcast %add3A_55 : f32 to vector<2560x1xf32>
    %add3A_57 = arith.addf %div3A_54, %add3A_56 : vector<2560x1xf32>
    %rsqrt3A = math.rsqrt %add3A_57 : vector<2560x1xf32>
    %mul3A_58 = vector.broadcast %rsqrt3A : vector<2560x1xf32> to vector<2560x128xf32>
    %mul3A_59 = arith.mulf %sub3A_48, %mul3A_58 : vector<2560x128xf32>
    %mul3A_60 = vector.broadcast %get3A_41 : vector<1x128xf32> to vector<2560x128xf32>
    %mul3A_61 = arith.mulf %mul3A_59, %mul3A_60 : vector<2560x128xf32>
    %add3A_62 = vector.broadcast %get3A_44 : vector<1x128xf32> to vector<2560x128xf32>
    %add3A_63 = arith.addf %mul3A_61, %add3A_62 : vector<2560x128xf32>
    %add3A_64 = arith.addf %add3A_63, %get3A_1 : vector<2560x128xf32>
    %swap3A = arith.constant 0 : index
    %swap3A_65 = arith.constant 0 : index
    %swap3A_66 = vector.load %arg11[%swap3A, %swap3A_65] : memref<2560x128xf32, #tpu.memory_space<vmem>>, vector<2560x128xf32>
    tpu.vector_store %arg11[%swap3A, %swap3A_65], %add3A_64 {strides = array<i32>} : memref<2560x128xf32, #tpu.memory_space<vmem>>, vector<2560x128xf32>,
    return
  }
  func.func @transform_0(%arg0: i32) -> (i32, i32) {
    %c0_i32 = arith.constant 0 : i32
    %c0_i32_0 = arith.constant 0 : i32
    return %arg0, %c0_i32 : i32, i32
  }
  func.func @transform_1(%arg0: i32) -> (i32, i32) {
    %c0_i32 = arith.constant 0 : i32
    %c0_i32_0 = arith.constant 0 : i32
    return %arg0, %c0_i32 : i32, i32
  }
  func.func @transform_2(%arg0: i32) -> (i32, i32) {
    %c0_i32 = arith.constant 0 : i32
    %c0_i32_0 = arith.constant 0 : i32
    %c0_i32_1 = arith.constant 0 : i32
    return %c0_i32, %c0_i32_0 : i32, i32
  }
  func.func @transform_3(%arg0: i32) -> (i32, i32) {
    %c0_i32 = arith.constant 0 : i32
    %c0_i32_0 = arith.constant 0 : i32
    %c0_i32_1 = arith.constant 0 : i32
    return %c0_i32, %c0_i32_0 : i32, i32
  }
  func.func @transform_4(%arg0: i32) -> (i32, i32) {
    %c0_i32 = arith.constant 0 : i32
    %c0_i32_0 = arith.constant 0 : i32
    %c0_i32_1 = arith.constant 0 : i32
    return %c0_i32, %c0_i32_0 : i32, i32
  }
  func.func @transform_5(%arg0: i32) -> (i32, i32) {
    %c0_i32 = arith.constant 0 : i32
    %c0_i32_0 = arith.constant 0 : i32
    %c0_i32_1 = arith.constant 0 : i32
    return %c0_i32, %c0_i32_0 : i32, i32
  }
  func.func @transform_6(%arg0: i32) -> (i32, i32) {
    %c0_i32 = arith.constant 0 : i32
    %c0_i32_0 = arith.constant 0 : i32
    %c0_i32_1 = arith.constant 0 : i32
    return %c0_i32, %c0_i32_0 : i32, i32
  }
  func.func @transform_7(%arg0: i32) -> (i32, i32) {
    %c0_i32 = arith.constant 0 : i32
    %c0_i32_0 = arith.constant 0 : i32
    %c0_i32_1 = arith.constant 0 : i32
    return %c0_i32, %c0_i32_0 : i32, i32
  }
  func.func @transform_8(%arg0: i32) -> (i32, i32) {
    %c0_i32 = arith.constant 0 : i32
    %c0_i32_0 = arith.constant 0 : i32
    %c0_i32_1 = arith.constant 0 : i32
    return %c0_i32, %c0_i32_0 : i32, i32
  }
  func.func @transform_9(%arg0: i32) -> (i32, i32) {
    %c0_i32 = arith.constant 0 : i32
    %c0_i32_0 = arith.constant 0 : i32
    %c0_i32_1 = arith.constant 0 : i32
    return %c0_i32, %c0_i32_0 : i32, i32
  }
  func.func @transform_10(%arg0: i32) -> (i32, i32) {
    %c0_i32 = arith.constant 0 : i32
    %c0_i32_0 = arith.constant 0 : i32
    return %arg0, %c0_i32 : i32, i32
  }
}

module attributes {stable_mosaic.version = 14 : i64} {
  func.func @_node_body(%arg0: i32, %arg1: memref<2000x128xf32, #tpu.memory_space<vmem>>, %arg2: memref<2000x128xf32, #tpu.memory_space<vmem>>, %arg3: memref<2000x128xf32, #tpu.memory_space<vmem>>, %arg4: memref<128x128xf32, #tpu.memory_space<vmem>>, %arg5: memref<128x128xf32, #tpu.memory_space<vmem>>, %arg6: memref<128x128xf32, #tpu.memory_space<vmem>>, %arg7: memref<128x128xf32, #tpu.memory_space<vmem>>, %arg8: memref<1x128xf32, #tpu.memory_space<vmem>>, %arg9: memref<1x128xf32, #tpu.memory_space<vmem>>, %arg10: memref<1x128xf32, #tpu.memory_space<vmem>>, %arg11: memref<1x128xf32, #tpu.memory_space<vmem>>, %arg12: memref<1x128xf32, #tpu.memory_space<vmem>>, %arg13: memref<2000x128xf32, #tpu.memory_space<vmem>>) attributes {dimension_semantics = [#tpu.dimension_semantics<arbitrary>], iteration_bounds = array<i64: 5>, scalar_prefetch = 0 : i64, scratch_operands = 0 : i64, tpu.core_type = #tpu.core_type<tc>, window_params = [{transform_indices = @transform_0, window_bounds = array<i64: 2000, 128>}, {transform_indices = @transform_1, window_bounds = array<i64: 2000, 128>}, {transform_indices = @transform_2, window_bounds = array<i64: 2000, 128>}, {pipeline_mode = #tpu.pipeline_mode<synchronous>, transform_indices = @transform_3, window_bounds = array<i64: 128, 128>}, {pipeline_mode = #tpu.pipeline_mode<synchronous>, transform_indices = @transform_4, window_bounds = array<i64: 128, 128>}, {pipeline_mode = #tpu.pipeline_mode<synchronous>, transform_indices = @transform_5, window_bounds = array<i64: 128, 128>}, {pipeline_mode = #tpu.pipeline_mode<synchronous>, transform_indices = @transform_6, window_bounds = array<i64: 128, 128>}, {pipeline_mode = #tpu.pipeline_mode<synchronous>, transform_indices = @transform_7, window_bounds = array<i64: 1, 128>}, {pipeline_mode = #tpu.pipeline_mode<synchronous>, transform_indices = @transform_8, window_bounds = array<i64: 1, 128>}, {pipeline_mode = #tpu.pipeline_mode<synchronous>, transform_indices = @transform_9, window_bounds = array<i64: 1, 128>}, {pipeline_mode = #tpu.pipeline_mode<synchronous>, transform_indices = @transform_10, window_bounds = array<i64: 1, 128>}, {pipeline_mode = #tpu.pipeline_mode<synchronous>, transform_indices = @transform_11, window_bounds = array<i64: 1, 128>}, {transform_indices = @transform_12, window_bounds = array<i64: 2000, 128>}]} {
    %get3A = arith.constant 0 : index
    %get3A_0 = arith.constant 0 : index
    %get3A_1 = vector.load %arg3[%get3A, %get3A_0] : memref<2000x128xf32, #tpu.memory_space<vmem>>, vector<2000x128xf32>
    %get3A_2 = arith.constant 0 : index
    %get3A_3 = arith.constant 0 : index
    %get3A_4 = vector.load %arg1[%get3A_2, %get3A_3] : memref<2000x128xf32, #tpu.memory_space<vmem>>, vector<2000x128xf32>
    %get3A_5 = arith.constant 0 : index
    %get3A_6 = arith.constant 0 : index
    %get3A_7 = vector.load %arg2[%get3A_5, %get3A_6] : memref<2000x128xf32, #tpu.memory_space<vmem>>, vector<2000x128xf32>
    %add3A = arith.addf %get3A_4, %get3A_7 : vector<2000x128xf32>
    %get3A_8 = arith.constant 0 : index
    %get3A_9 = arith.constant 0 : index
    %get3A_10 = vector.load %arg4[%get3A_8, %get3A_9] : memref<128x128xf32, #tpu.memory_space<vmem>>, vector<128x128xf32>
    %dot_general3A = arith.constant dense<0.000000e+00> : vector<2000x128xf32>
    %dot_general3A_11 = tpu.matmul %add3A, %get3A_10, %dot_general3A {dimension_numbers = #tpu.dot_dimension_numbers<[1], [0], [0], [1], [0, 0, 1, 1], [], []>, transpose_lhs_hint = false} : vector<2000x128xf32>, vector<128x128xf32>, vector<2000x128xf32> -> vector<2000x128xf32>
    %get3A_12 = arith.constant 0 : index
    %get3A_13 = arith.constant 0 : index
    %get3A_14 = vector.load %arg5[%get3A_12, %get3A_13] : memref<128x128xf32, #tpu.memory_space<vmem>>, vector<128x128xf32>
    %dot_general3A_15 = arith.constant dense<0.000000e+00> : vector<2000x128xf32>
    %dot_general3A_16 = tpu.matmul %get3A_1, %get3A_14, %dot_general3A_15 {dimension_numbers = #tpu.dot_dimension_numbers<[1], [0], [0], [1], [0, 0, 1, 1], [], []>, transpose_lhs_hint = false} : vector<2000x128xf32>, vector<128x128xf32>, vector<2000x128xf32> -> vector<2000x128xf32>
    %add3A_17 = arith.addf %dot_general3A_11, %dot_general3A_16 : vector<2000x128xf32>
    %get3A_18 = arith.constant 0 : index
    %get3A_19 = arith.constant 0 : index
    %get3A_20 = vector.load %arg8[%get3A_18, %get3A_19] : memref<1x128xf32, #tpu.memory_space<vmem>>, vector<1x128xf32>
    %add3A_21 = vector.broadcast %get3A_20 : vector<1x128xf32> to vector<2000x128xf32>
    %add3A_22 = arith.addf %add3A_17, %add3A_21 : vector<2000x128xf32>
    %max3A = arith.constant 0.000000e+00 : f32
    %max3A_23 = vector.broadcast %max3A : f32 to vector<2000x128xf32>
    %max3A_24 = arith.maximumf %add3A_22, %max3A_23 : vector<2000x128xf32>
    %get3A_25 = arith.constant 0 : index
    %get3A_26 = arith.constant 0 : index
    %get3A_27 = vector.load %arg6[%get3A_25, %get3A_26] : memref<128x128xf32, #tpu.memory_space<vmem>>, vector<128x128xf32>
    %dot_general3A_28 = arith.constant dense<0.000000e+00> : vector<2000x128xf32>
    %dot_general3A_29 = tpu.matmul %max3A_24, %get3A_27, %dot_general3A_28 {dimension_numbers = #tpu.dot_dimension_numbers<[1], [0], [0], [1], [0, 0, 1, 1], [], []>, transpose_lhs_hint = false} : vector<2000x128xf32>, vector<128x128xf32>, vector<2000x128xf32> -> vector<2000x128xf32>
    %get3A_30 = arith.constant 0 : index
    %get3A_31 = arith.constant 0 : index
    %get3A_32 = vector.load %arg9[%get3A_30, %get3A_31] : memref<1x128xf32, #tpu.memory_space<vmem>>, vector<1x128xf32>
    %add3A_33 = vector.broadcast %get3A_32 : vector<1x128xf32> to vector<2000x128xf32>
    %add3A_34 = arith.addf %dot_general3A_29, %add3A_33 : vector<2000x128xf32>
    %max3A_35 = arith.constant 0.000000e+00 : f32
    %max3A_36 = vector.broadcast %max3A_35 : f32 to vector<2000x128xf32>
    %max3A_37 = arith.maximumf %add3A_34, %max3A_36 : vector<2000x128xf32>
    %get3A_38 = arith.constant 0 : index
    %get3A_39 = arith.constant 0 : index
    %get3A_40 = vector.load %arg7[%get3A_38, %get3A_39] : memref<128x128xf32, #tpu.memory_space<vmem>>, vector<128x128xf32>
    %dot_general3A_41 = arith.constant dense<0.000000e+00> : vector<2000x128xf32>
    %dot_general3A_42 = tpu.matmul %max3A_37, %get3A_40, %dot_general3A_41 {dimension_numbers = #tpu.dot_dimension_numbers<[1], [0], [0], [1], [0, 0, 1, 1], [], []>, transpose_lhs_hint = false} : vector<2000x128xf32>, vector<128x128xf32>, vector<2000x128xf32> -> vector<2000x128xf32>
    %get3A_43 = arith.constant 0 : index
    %get3A_44 = arith.constant 0 : index
    %get3A_45 = vector.load %arg10[%get3A_43, %get3A_44] : memref<1x128xf32, #tpu.memory_space<vmem>>, vector<1x128xf32>
    %add3A_46 = vector.broadcast %get3A_45 : vector<1x128xf32> to vector<2000x128xf32>
    %add3A_47 = arith.addf %dot_general3A_42, %add3A_46 : vector<2000x128xf32>
    %get3A_48 = arith.constant 0 : index
    %get3A_49 = arith.constant 0 : index
    %get3A_50 = vector.load %arg11[%get3A_48, %get3A_49] : memref<1x128xf32, #tpu.memory_space<vmem>>, vector<1x128xf32>
    %get3A_51 = arith.constant 0 : index
    %get3A_52 = arith.constant 0 : index
    %get3A_53 = vector.load %arg12[%get3A_51, %get3A_52] : memref<1x128xf32, #tpu.memory_space<vmem>>, vector<1x128xf32>
    %reduce_sum3A = arith.constant dense<0.000000e+00> : vector<2000xf32>
    %reduce_sum3A_54 = vector.multi_reduction <add>, %add3A_47, %reduce_sum3A [1] : vector<2000x128xf32> to vector<2000xf32>
    %broadcast_in_dim3A = vector.shape_cast %reduce_sum3A_54 : vector<2000xf32> to vector<2000x1xf32>
    %div3A = arith.constant 1.280000e+02 : f32
    %div3A_55 = vector.broadcast %div3A : f32 to vector<2000x1xf32>
    %div3A_56 = arith.divf %broadcast_in_dim3A, %div3A_55 : vector<2000x1xf32>
    %sub3A = vector.broadcast %div3A_56 : vector<2000x1xf32> to vector<2000x128xf32>
    %sub3A_57 = arith.subf %add3A_47, %sub3A : vector<2000x128xf32>
    %mul3A = arith.mulf %sub3A_57, %sub3A_57 : vector<2000x128xf32>
    %reduce_sum3A_58 = arith.constant dense<0.000000e+00> : vector<2000xf32>
    %reduce_sum3A_59 = vector.multi_reduction <add>, %mul3A, %reduce_sum3A_58 [1] : vector<2000x128xf32> to vector<2000xf32>
    %broadcast_in_dim3A_60 = vector.shape_cast %reduce_sum3A_59 : vector<2000xf32> to vector<2000x1xf32>
    %div3A_61 = arith.constant 1.280000e+02 : f32
    %div3A_62 = vector.broadcast %div3A_61 : f32 to vector<2000x1xf32>
    %div3A_63 = arith.divf %broadcast_in_dim3A_60, %div3A_62 : vector<2000x1xf32>
    %add3A_64 = arith.constant 9.99999974E-6 : f32
    %add3A_65 = vector.broadcast %add3A_64 : f32 to vector<2000x1xf32>
    %add3A_66 = arith.addf %div3A_63, %add3A_65 : vector<2000x1xf32>
    %rsqrt3A = math.rsqrt %add3A_66 : vector<2000x1xf32>
    %mul3A_67 = vector.broadcast %rsqrt3A : vector<2000x1xf32> to vector<2000x128xf32>
    %mul3A_68 = arith.mulf %sub3A_57, %mul3A_67 : vector<2000x128xf32>
    %mul3A_69 = vector.broadcast %get3A_50 : vector<1x128xf32> to vector<2000x128xf32>
    %mul3A_70 = arith.mulf %mul3A_68, %mul3A_69 : vector<2000x128xf32>
    %add3A_71 = vector.broadcast %get3A_53 : vector<1x128xf32> to vector<2000x128xf32>
    %add3A_72 = arith.addf %mul3A_70, %add3A_71 : vector<2000x128xf32>
    %add3A_73 = arith.addf %add3A_72, %get3A_1 : vector<2000x128xf32>
    %swap3A = arith.constant 0 : index
    %swap3A_74 = arith.constant 0 : index
    %swap3A_75 = vector.load %arg13[%swap3A, %swap3A_74] : memref<2000x128xf32, #tpu.memory_space<vmem>>, vector<2000x128xf32>
    tpu.vector_store %arg13[%swap3A, %swap3A_74], %add3A_73 {strides = array<i32>} : memref<2000x128xf32, #tpu.memory_space<vmem>>, vector<2000x128xf32>,
    return
  }
  func.func @transform_0(%arg0: i32) -> (i32, i32) {
    %c0_i32 = arith.constant 0 : i32
    %c0_i32_0 = arith.constant 0 : i32
    return %arg0, %c0_i32 : i32, i32
  }
  func.func @transform_1(%arg0: i32) -> (i32, i32) {
    %c0_i32 = arith.constant 0 : i32
    %c0_i32_0 = arith.constant 0 : i32
    return %arg0, %c0_i32 : i32, i32
  }
  func.func @transform_2(%arg0: i32) -> (i32, i32) {
    %c0_i32 = arith.constant 0 : i32
    %c0_i32_0 = arith.constant 0 : i32
    return %arg0, %c0_i32 : i32, i32
  }
  func.func @transform_3(%arg0: i32) -> (i32, i32) {
    %c0_i32 = arith.constant 0 : i32
    %c0_i32_0 = arith.constant 0 : i32
    %c0_i32_1 = arith.constant 0 : i32
    return %c0_i32, %c0_i32_0 : i32, i32
  }
  func.func @transform_4(%arg0: i32) -> (i32, i32) {
    %c0_i32 = arith.constant 0 : i32
    %c0_i32_0 = arith.constant 0 : i32
    %c0_i32_1 = arith.constant 0 : i32
    return %c0_i32, %c0_i32_0 : i32, i32
  }
  func.func @transform_5(%arg0: i32) -> (i32, i32) {
    %c0_i32 = arith.constant 0 : i32
    %c0_i32_0 = arith.constant 0 : i32
    %c0_i32_1 = arith.constant 0 : i32
    return %c0_i32, %c0_i32_0 : i32, i32
  }
  func.func @transform_6(%arg0: i32) -> (i32, i32) {
    %c0_i32 = arith.constant 0 : i32
    %c0_i32_0 = arith.constant 0 : i32
    %c0_i32_1 = arith.constant 0 : i32
    return %c0_i32, %c0_i32_0 : i32, i32
  }
  func.func @transform_7(%arg0: i32) -> (i32, i32) {
    %c0_i32 = arith.constant 0 : i32
    %c0_i32_0 = arith.constant 0 : i32
    %c0_i32_1 = arith.constant 0 : i32
    return %c0_i32, %c0_i32_0 : i32, i32
  }
  func.func @transform_8(%arg0: i32) -> (i32, i32) {
    %c0_i32 = arith.constant 0 : i32
    %c0_i32_0 = arith.constant 0 : i32
    %c0_i32_1 = arith.constant 0 : i32
    return %c0_i32, %c0_i32_0 : i32, i32
  }
  func.func @transform_9(%arg0: i32) -> (i32, i32) {
    %c0_i32 = arith.constant 0 : i32
    %c0_i32_0 = arith.constant 0 : i32
    %c0_i32_1 = arith.constant 0 : i32
    return %c0_i32, %c0_i32_0 : i32, i32
  }
  func.func @transform_10(%arg0: i32) -> (i32, i32) {
    %c0_i32 = arith.constant 0 : i32
    %c0_i32_0 = arith.constant 0 : i32
    %c0_i32_1 = arith.constant 0 : i32
    return %c0_i32, %c0_i32_0 : i32, i32
  }
  func.func @transform_11(%arg0: i32) -> (i32, i32) {
    %c0_i32 = arith.constant 0 : i32
    %c0_i32_0 = arith.constant 0 : i32
    %c0_i32_1 = arith.constant 0 : i32
    return %c0_i32, %c0_i32_0 : i32, i32
  }
  func.func @transform_12(%arg0: i32) -> (i32, i32) {
    %c0_i32 = arith.constant 0 : i32
    %c0_i32_0 = arith.constant 0 : i32
    return %arg0, %c0_i32 : i32, i32
  }
}

module attributes {stable_mosaic.version = 14 : i64} {
  func.func @_node_body(%arg0: i32, %arg1: memref<2000x128xf32, #tpu.memory_space<vmem>>, %arg2: memref<2000x128xf32, #tpu.memory_space<vmem>>, %arg3: memref<2000x128xf32, #tpu.memory_space<vmem>>, %arg4: memref<128x128xf32, #tpu.memory_space<vmem>>, %arg5: memref<128x128xf32, #tpu.memory_space<vmem>>, %arg6: memref<128x128xf32, #tpu.memory_space<vmem>>, %arg7: memref<128x128xf32, #tpu.memory_space<vmem>>, %arg8: memref<1x128xf32, #tpu.memory_space<vmem>>, %arg9: memref<1x128xf32, #tpu.memory_space<vmem>>, %arg10: memref<1x128xf32, #tpu.memory_space<vmem>>, %arg11: memref<1x128xf32, #tpu.memory_space<vmem>>, %arg12: memref<1x128xf32, #tpu.memory_space<vmem>>, %arg13: memref<2000x128xf32, #tpu.memory_space<vmem>>) attributes {dimension_semantics = [#tpu.dimension_semantics<arbitrary>], iteration_bounds = array<i64: 5>, scalar_prefetch = 0 : i64, scratch_operands = 0 : i64, tpu.core_type = #tpu.core_type<tc>, window_params = [{transform_indices = @transform_0, window_bounds = array<i64: 2000, 128>}, {transform_indices = @transform_1, window_bounds = array<i64: 2000, 128>}, {transform_indices = @transform_2, window_bounds = array<i64: 2000, 128>}, {pipeline_mode = #tpu.pipeline_mode<synchronous>, transform_indices = @transform_3, window_bounds = array<i64: 128, 128>}, {pipeline_mode = #tpu.pipeline_mode<synchronous>, transform_indices = @transform_4, window_bounds = array<i64: 128, 128>}, {pipeline_mode = #tpu.pipeline_mode<synchronous>, transform_indices = @transform_5, window_bounds = array<i64: 128, 128>}, {pipeline_mode = #tpu.pipeline_mode<synchronous>, transform_indices = @transform_6, window_bounds = array<i64: 128, 128>}, {pipeline_mode = #tpu.pipeline_mode<synchronous>, transform_indices = @transform_7, window_bounds = array<i64: 1, 128>}, {pipeline_mode = #tpu.pipeline_mode<synchronous>, transform_indices = @transform_8, window_bounds = array<i64: 1, 128>}, {pipeline_mode = #tpu.pipeline_mode<synchronous>, transform_indices = @transform_9, window_bounds = array<i64: 1, 128>}, {pipeline_mode = #tpu.pipeline_mode<synchronous>, transform_indices = @transform_10, window_bounds = array<i64: 1, 128>}, {pipeline_mode = #tpu.pipeline_mode<synchronous>, transform_indices = @transform_11, window_bounds = array<i64: 1, 128>}, {transform_indices = @transform_12, window_bounds = array<i64: 2000, 128>}]} {
    %get3A = arith.constant 0 : index
    %get3A_0 = arith.constant 0 : index
    %get3A_1 = vector.load %arg3[%get3A, %get3A_0] : memref<2000x128xf32, #tpu.memory_space<vmem>>, vector<2000x128xf32>
    %get3A_2 = arith.constant 0 : index
    %get3A_3 = arith.constant 0 : index
    %get3A_4 = vector.load %arg1[%get3A_2, %get3A_3] : memref<2000x128xf32, #tpu.memory_space<vmem>>, vector<2000x128xf32>
    %get3A_5 = arith.constant 0 : index
    %get3A_6 = arith.constant 0 : index
    %get3A_7 = vector.load %arg2[%get3A_5, %get3A_6] : memref<2000x128xf32, #tpu.memory_space<vmem>>, vector<2000x128xf32>
    %add3A = arith.addf %get3A_4, %get3A_7 : vector<2000x128xf32>
    %get3A_8 = arith.constant 0 : index
    %get3A_9 = arith.constant 0 : index
    %get3A_10 = vector.load %arg4[%get3A_8, %get3A_9] : memref<128x128xf32, #tpu.memory_space<vmem>>, vector<128x128xf32>
    %dot_general3A = arith.constant dense<0.000000e+00> : vector<2000x128xf32>
    %dot_general3A_11 = tpu.matmul %add3A, %get3A_10, %dot_general3A {dimension_numbers = #tpu.dot_dimension_numbers<[1], [0], [0], [1], [0, 0, 1, 1], [], []>, transpose_lhs_hint = false} : vector<2000x128xf32>, vector<128x128xf32>, vector<2000x128xf32> -> vector<2000x128xf32>
    %get3A_12 = arith.constant 0 : index
    %get3A_13 = arith.constant 0 : index
    %get3A_14 = vector.load %arg5[%get3A_12, %get3A_13] : memref<128x128xf32, #tpu.memory_space<vmem>>, vector<128x128xf32>
    %dot_general3A_15 = arith.constant dense<0.000000e+00> : vector<2000x128xf32>
    %dot_general3A_16 = tpu.matmul %get3A_1, %get3A_14, %dot_general3A_15 {dimension_numbers = #tpu.dot_dimension_numbers<[1], [0], [0], [1], [0, 0, 1, 1], [], []>, transpose_lhs_hint = false} : vector<2000x128xf32>, vector<128x128xf32>, vector<2000x128xf32> -> vector<2000x128xf32>
    %add3A_17 = arith.addf %dot_general3A_11, %dot_general3A_16 : vector<2000x128xf32>
    %get3A_18 = arith.constant 0 : index
    %get3A_19 = arith.constant 0 : index
    %get3A_20 = vector.load %arg8[%get3A_18, %get3A_19] : memref<1x128xf32, #tpu.memory_space<vmem>>, vector<1x128xf32>
    %add3A_21 = vector.broadcast %get3A_20 : vector<1x128xf32> to vector<2000x128xf32>
    %add3A_22 = arith.addf %add3A_17, %add3A_21 : vector<2000x128xf32>
    %max3A = arith.constant 0.000000e+00 : f32
    %max3A_23 = vector.broadcast %max3A : f32 to vector<2000x128xf32>
    %max3A_24 = arith.maximumf %add3A_22, %max3A_23 : vector<2000x128xf32>
    %get3A_25 = arith.constant 0 : index
    %get3A_26 = arith.constant 0 : index
    %get3A_27 = vector.load %arg6[%get3A_25, %get3A_26] : memref<128x128xf32, #tpu.memory_space<vmem>>, vector<128x128xf32>
    %dot_general3A_28 = arith.constant dense<0.000000e+00> : vector<2000x128xf32>
    %dot_general3A_29 = tpu.matmul %max3A_24, %get3A_27, %dot_general3A_28 {dimension_numbers = #tpu.dot_dimension_numbers<[1], [0], [0], [1], [0, 0, 1, 1], [], []>, transpose_lhs_hint = false} : vector<2000x128xf32>, vector<128x128xf32>, vector<2000x128xf32> -> vector<2000x128xf32>
    %get3A_30 = arith.constant 0 : index
    %get3A_31 = arith.constant 0 : index
    %get3A_32 = vector.load %arg9[%get3A_30, %get3A_31] : memref<1x128xf32, #tpu.memory_space<vmem>>, vector<1x128xf32>
    %add3A_33 = vector.broadcast %get3A_32 : vector<1x128xf32> to vector<2000x128xf32>
    %add3A_34 = arith.addf %dot_general3A_29, %add3A_33 : vector<2000x128xf32>
    %max3A_35 = arith.constant 0.000000e+00 : f32
    %max3A_36 = vector.broadcast %max3A_35 : f32 to vector<2000x128xf32>
    %max3A_37 = arith.maximumf %add3A_34, %max3A_36 : vector<2000x128xf32>
    %get3A_38 = arith.constant 0 : index
    %get3A_39 = arith.constant 0 : index
    %get3A_40 = vector.load %arg7[%get3A_38, %get3A_39] : memref<128x128xf32, #tpu.memory_space<vmem>>, vector<128x128xf32>
    %dot_general3A_41 = arith.constant dense<0.000000e+00> : vector<2000x128xf32>
    %dot_general3A_42 = tpu.matmul %max3A_37, %get3A_40, %dot_general3A_41 {dimension_numbers = #tpu.dot_dimension_numbers<[1], [0], [0], [1], [0, 0, 1, 1], [], []>, transpose_lhs_hint = false} : vector<2000x128xf32>, vector<128x128xf32>, vector<2000x128xf32> -> vector<2000x128xf32>
    %get3A_43 = arith.constant 0 : index
    %get3A_44 = arith.constant 0 : index
    %get3A_45 = vector.load %arg10[%get3A_43, %get3A_44] : memref<1x128xf32, #tpu.memory_space<vmem>>, vector<1x128xf32>
    %add3A_46 = vector.broadcast %get3A_45 : vector<1x128xf32> to vector<2000x128xf32>
    %add3A_47 = arith.addf %dot_general3A_42, %add3A_46 : vector<2000x128xf32>
    %get3A_48 = arith.constant 0 : index
    %get3A_49 = arith.constant 0 : index
    %get3A_50 = vector.load %arg11[%get3A_48, %get3A_49] : memref<1x128xf32, #tpu.memory_space<vmem>>, vector<1x128xf32>
    %get3A_51 = arith.constant 0 : index
    %get3A_52 = arith.constant 0 : index
    %get3A_53 = vector.load %arg12[%get3A_51, %get3A_52] : memref<1x128xf32, #tpu.memory_space<vmem>>, vector<1x128xf32>
    %reduce_sum3A = arith.constant dense<0.000000e+00> : vector<2000xf32>
    %reduce_sum3A_54 = vector.multi_reduction <add>, %add3A_47, %reduce_sum3A [1] : vector<2000x128xf32> to vector<2000xf32>
    %broadcast_in_dim3A = vector.shape_cast %reduce_sum3A_54 : vector<2000xf32> to vector<2000x1xf32>
    %div3A = arith.constant 1.280000e+02 : f32
    %div3A_55 = vector.broadcast %div3A : f32 to vector<2000x1xf32>
    %div3A_56 = arith.divf %broadcast_in_dim3A, %div3A_55 : vector<2000x1xf32>
    %sub3A = vector.broadcast %div3A_56 : vector<2000x1xf32> to vector<2000x128xf32>
    %sub3A_57 = arith.subf %add3A_47, %sub3A : vector<2000x128xf32>
    %mul3A = arith.mulf %sub3A_57, %sub3A_57 : vector<2000x128xf32>
    %reduce_sum3A_58 = arith.constant dense<0.000000e+00> : vector<2000xf32>
    %reduce_sum3A_59 = vector.multi_reduction <add>, %mul3A, %reduce_sum3A_58 [1] : vector<2000x128xf32> to vector<2000xf32>
    %broadcast_in_dim3A_60 = vector.shape_cast %reduce_sum3A_59 : vector<2000xf32> to vector<2000x1xf32>
    %div3A_61 = arith.constant 1.280000e+02 : f32
    %div3A_62 = vector.broadcast %div3A_61 : f32 to vector<2000x1xf32>
    %div3A_63 = arith.divf %broadcast_in_dim3A_60, %div3A_62 : vector<2000x1xf32>
    %add3A_64 = arith.constant 9.99999974E-6 : f32
    %add3A_65 = vector.broadcast %add3A_64 : f32 to vector<2000x1xf32>
    %add3A_66 = arith.addf %div3A_63, %add3A_65 : vector<2000x1xf32>
    %rsqrt3A = math.rsqrt %add3A_66 : vector<2000x1xf32>
    %mul3A_67 = vector.broadcast %rsqrt3A : vector<2000x1xf32> to vector<2000x128xf32>
    %mul3A_68 = arith.mulf %sub3A_57, %mul3A_67 : vector<2000x128xf32>
    %mul3A_69 = vector.broadcast %get3A_50 : vector<1x128xf32> to vector<2000x128xf32>
    %mul3A_70 = arith.mulf %mul3A_68, %mul3A_69 : vector<2000x128xf32>
    %add3A_71 = vector.broadcast %get3A_53 : vector<1x128xf32> to vector<2000x128xf32>
    %add3A_72 = arith.addf %mul3A_70, %add3A_71 : vector<2000x128xf32>
    %add3A_73 = arith.addf %add3A_72, %get3A_1 : vector<2000x128xf32>
    %swap3A = arith.constant 0 : index
    %swap3A_74 = arith.constant 0 : index
    %swap3A_75 = vector.load %arg13[%swap3A, %swap3A_74] : memref<2000x128xf32, #tpu.memory_space<vmem>>, vector<2000x128xf32>
    tpu.vector_store %arg13[%swap3A, %swap3A_74], %add3A_73 {strides = array<i32>} : memref<2000x128xf32, #tpu.memory_space<vmem>>, vector<2000x128xf32>,
    return
  }
  func.func @transform_0(%arg0: i32) -> (i32, i32) {
    %c0_i32 = arith.constant 0 : i32
    %c0_i32_0 = arith.constant 0 : i32
    return %arg0, %c0_i32 : i32, i32
  }
  func.func @transform_1(%arg0: i32) -> (i32, i32) {
    %c0_i32 = arith.constant 0 : i32
    %c0_i32_0 = arith.constant 0 : i32
    return %arg0, %c0_i32 : i32, i32
  }
  func.func @transform_2(%arg0: i32) -> (i32, i32) {
    %c0_i32 = arith.constant 0 : i32
    %c0_i32_0 = arith.constant 0 : i32
    return %arg0, %c0_i32 : i32, i32
  }
  func.func @transform_3(%arg0: i32) -> (i32, i32) {
    %c0_i32 = arith.constant 0 : i32
    %c0_i32_0 = arith.constant 0 : i32
    %c0_i32_1 = arith.constant 0 : i32
    return %c0_i32, %c0_i32_0 : i32, i32
  }
  func.func @transform_4(%arg0: i32) -> (i32, i32) {
    %c0_i32 = arith.constant 0 : i32
    %c0_i32_0 = arith.constant 0 : i32
    %c0_i32_1 = arith.constant 0 : i32
    return %c0_i32, %c0_i32_0 : i32, i32
  }
  func.func @transform_5(%arg0: i32) -> (i32, i32) {
    %c0_i32 = arith.constant 0 : i32
    %c0_i32_0 = arith.constant 0 : i32
    %c0_i32_1 = arith.constant 0 : i32
    return %c0_i32, %c0_i32_0 : i32, i32
  }
  func.func @transform_6(%arg0: i32) -> (i32, i32) {
    %c0_i32 = arith.constant 0 : i32
    %c0_i32_0 = arith.constant 0 : i32
    %c0_i32_1 = arith.constant 0 : i32
    return %c0_i32, %c0_i32_0 : i32, i32
  }
  func.func @transform_7(%arg0: i32) -> (i32, i32) {
    %c0_i32 = arith.constant 0 : i32
    %c0_i32_0 = arith.constant 0 : i32
    %c0_i32_1 = arith.constant 0 : i32
    return %c0_i32, %c0_i32_0 : i32, i32
  }
  func.func @transform_8(%arg0: i32) -> (i32, i32) {
    %c0_i32 = arith.constant 0 : i32
    %c0_i32_0 = arith.constant 0 : i32
    %c0_i32_1 = arith.constant 0 : i32
    return %c0_i32, %c0_i32_0 : i32, i32
  }
  func.func @transform_9(%arg0: i32) -> (i32, i32) {
    %c0_i32 = arith.constant 0 : i32
    %c0_i32_0 = arith.constant 0 : i32
    %c0_i32_1 = arith.constant 0 : i32
    return %c0_i32, %c0_i32_0 : i32, i32
  }
  func.func @transform_10(%arg0: i32) -> (i32, i32) {
    %c0_i32 = arith.constant 0 : i32
    %c0_i32_0 = arith.constant 0 : i32
    %c0_i32_1 = arith.constant 0 : i32
    return %c0_i32, %c0_i32_0 : i32, i32
  }
  func.func @transform_11(%arg0: i32) -> (i32, i32) {
    %c0_i32 = arith.constant 0 : i32
    %c0_i32_0 = arith.constant 0 : i32
    %c0_i32_1 = arith.constant 0 : i32
    return %c0_i32, %c0_i32_0 : i32, i32
  }
  func.func @transform_12(%arg0: i32) -> (i32, i32) {
    %c0_i32 = arith.constant 0 : i32
    %c0_i32_0 = arith.constant 0 : i32
    return %arg0, %c0_i32 : i32, i32
  }
}

</mosaic_0001>

<sc_bundles>
// kernel: kernel.12.cloned.1.call-start
scs
__scs_entry_jumppad:
0x0: {  	(pc) =	sbr.rel $0x88, $3  }
0x1: {  	(tag) =	ssettag $0x0;
	lr =	simm.s32 $0x1  }
0x2: {  	[smem:$0x3F8E] =	sst lr;
	_ =	strace $0xD0000000  }
0x3: {  	_ = 	snop  }
0x4: {  	_ = 	snop  }
0x5: {  	_ = 	snop  }
0x6: {  	_ = 	snop  }
0x7: {  	_ = 	snop  }
__scs_overlays_trampoline_lowered:
0x8: {  	[smem:$0x3F9D] =	sst s0  }
0x9: {  	[smem:$0x3F9E] =	sst s1  }
0xa: {  	[smem:$0x3F9F] =	sst s2  }
0xb: {  	[smem:$0x3FA0] =	sst s3  }
0xc: {  	[smem:$0x3FA1] =	sst s4  }
0xd: {  	[smem:$0x3FA2] =	sst s5  }
0xe: {  	[smem:$0x3FA3] =	sst s6  }
0xf: {  	[smem:$0x3FA4] =	sst s7  }
0x10: {  	[smem:$0x3FA5] =	sst s8  }
0x11: {  	[smem:$0x3FA6] =	sst s9;
	s0 =	simm.s32 @!p0 $0x0  }
0x12: {  	s1 =	sld [smem:$0x3F8C];
	s0 =	simm.s32 @p0 $0x1  }
0x13: {  	[smem:$0x3FA7] =	sst s0;
	s0 =	simm.s32 @!p1 $0x0  }
0x14: {  	s2 =	sld [smem:$0x3F8B];
	s0 =	simm.s32 @p1 $0x1  }
0x15: {  	[smem:$0x3FA8] =	sst s0;
	s0 =	simm.s32 @!p2 $0x0  }
0x16: {  	s3 =	sld [smem:$0x3FDB];
	s0 =	simm.s32 @p2 $0x1  }
0x17: {  	s4 =	simm.s32 $0x1BF5;
	[smem:$0x3FAA] =	sst s0  }
0x18: {  	s0 =	sld [smem:$0x3F8D];
	_ =	swait.ge [sflag:s4], $0x0  }
0x19: {  	s7 =	sld [smem:$0x3F8E]  }
0x1a: {  	s8 =	sadd.s32 $0xFFFFE003, lr  }
0x1b: {  	s9 =	sadd.s32 $0xFFFFFEF7, lr;
	s5 =	simm.s32 $0xFFFFFFFF;
	p2 =	slt.u32 s8, $0xFFFFF086  }
0x1c: {  	p1 =	slt.u32 s9, $0xF7A;
	s5 =	simm.s32 @!p2 $0x0  }
0x1d: {  	s5 =	simm.s32 @p1 $0x1;
	p0 =	seq.s32 s7, s2  }
0x1e: {  	s7 =	smul.u32 @!p0 $0xF7A, s2;
	p2 =	seq.s32 @!p0 s5, $0x0  }
0x1f: {  	s9 =	smul.u32 $0xF7A, s1;
	s8 =	simm.s32 @!p0 $0x1BF5;
	p2 =	por !p2, p0  }
0x20: {  	[sflag:s8] =	ssyncset.s32 @!p0 $0xFFFFF086;
	s6 =	sadd.s32 @!p0 s3, s7;
	s7 =	simm.s32 @!p0 $0x108  }
0x21: {  	s3 =	sadd.s32 s3, s9;
	s6 =	sadd.s32 @!p0 $0x88, s6;
	s7 =	simm.s32 @p2 $0x1082  }
0x22: {  	[simem:s7], [sflag:s8] =	dma.local @!p0 [hbm:s6], $0xF7A  }
0x23: {  	s9 =	sor.u32 $0xD0000000, s2;
	s6 =	simm.s32 $0x108;
	_ =	swait.ge @!p0 [sflag:s8], $0x0  }
0x24: {  	s3 =	sadd.s32 $0x88, s3;
	s6 =	simm.s32 @!p1 $0x1082;
	[sflag:s4] =	ssyncset.s32 $0xFFFFF086  }
0x25: {  	[simem:s6], [sflag:s4] =	dma.local [hbm:s3], $0xF7A  }
0x26: {  	[smem:$0x3F8E] =	sst s1;
	(tag) =	ssettag s2;
	_ =	strace s9  }
0x27: {  	s1 =	sld [smem:$0x3F9E]  }
0x28: {  	s2 =	sld [smem:$0x3F9F]  }
0x29: {  	s4 =	sld [smem:$0x3FA1]  }
0x2a: {  	p0 =	seq.s32 s5, $0x0;
	s5 =	sld [smem:$0x3FA2]  }
0x2b: {  	s6 =	sld [smem:$0x3FA3]  }
0x2c: {  	s7 =	sld [smem:$0x3FA4]  }
0x2d: {  	s3 =	simm.s32 $0x108;
	s8 =	sld [smem:$0x3FA5]  }
0x2e: {  	s3 =	simm.s32 @!p0 $0x1082;
	s9 =	sld [smem:$0x3FA6]  }
0x2f: {  	lr =	sadd.s32 s0, s3;
	s0 =	sld [smem:$0x3F9D]  }
0x30: {  	s3 =	sld [smem:$0x3FA0]  }
0x31: {  	[smem:$0x3FA9] =	sst s10  }
0x32: {  	s10 =	sld [smem:$0x3FA7];
	_ =	sdelay $0x3  }
0x33: {  	p0 =	seq.s32 s10, $0x1;
	s10 =	sld [smem:$0x3FA9];
	_ =	sdelay $0x3  }
0x34: {  	[smem:$0x3FA9] =	sst s10  }
0x35: {  	s10 =	sld [smem:$0x3FA8];
	_ =	sdelay $0x3  }
0x36: {  	p1 =	seq.s32 s10, $0x1;
	s10 =	sld [smem:$0x3FA9];
	_ =	sdelay $0x3  }
0x37: {  	[smem:$0x3FA9] =	sst s10  }
0x38: {  	s10 =	sld [smem:$0x3FAA]  }
0x39: {  	_ = 	snop;
	(pc) =	sbr.ind lr, $3  }
0x3a: {  	_ = 	snop  }
0x3b: {  	_ = 	snop  }
0x3c: {  	p2 =	seq.s32 s10, $0x1;
	s10 =	sld [smem:$0x3FA9]  }
0x3d: {  	_ =	shalt  }
0x3e: {  	_ =	shalt  }
0x3f: {  	_ =	shalt  }
0x40: {  	_ =	shalt  }
0x41: {  	_ =	shalt  }
0x42: {  	_ =	shalt  }
0x43: {  	_ =	shalt  }
0x44: {  	_ =	shalt  }
0x45: {  	_ =	shalt  }
0x46: {  	_ =	shalt  }
0x47: {  	_ =	shalt  }
0x48: {  	_ =	shalt  }
0x49: {  	_ =	shalt  }
0x4a: {  	_ =	shalt  }
0x4b: {  	_ =	shalt  }
0x4c: {  	_ =	shalt  }
0x4d: {  	_ =	shalt  }
0x4e: {  	_ =	shalt  }
0x4f: {  	_ =	shalt  }
0x50: {  	_ =	shalt  }
0x51: {  	_ =	shalt  }
0x52: {  	_ =	shalt  }
0x53: {  	_ =	shalt  }
0x54: {  	_ =	shalt  }
0x55: {  	_ =	shalt  }
0x56: {  	_ =	shalt  }
0x57: {  	_ =	shalt  }
0x58: {  	_ =	shalt  }
0x59: {  	_ =	shalt  }
0x5a: {  	_ =	shalt  }
0x5b: {  	_ =	shalt  }
0x5c: {  	_ =	shalt  }
0x5d: {  	_ =	shalt  }
0x5e: {  	_ =	shalt  }
0x5f: {  	_ =	shalt  }
0x60: {  	_ =	shalt  }
0x61: {  	_ =	shalt  }
0x62: {  	_ =	shalt  }
0x63: {  	_ =	shalt  }
0x64: {  	_ =	shalt  }
0x65: {  	_ =	shalt  }
0x66: {  	_ =	shalt  }
0x67: {  	_ =	shalt  }
0x68: {  	_ =	shalt  }
0x69: {  	_ =	shalt  }
0x6a: {  	_ =	shalt  }
0x6b: {  	_ =	shalt  }
0x6c: {  	_ =	shalt  }
0x6d: {  	_ =	shalt  }
0x6e: {  	_ =	shalt  }
0x6f: {  	_ =	shalt  }
0x70: {  	_ =	shalt  }
0x71: {  	_ =	shalt  }
0x72: {  	_ =	shalt  }
0x73: {  	_ =	shalt  }
0x74: {  	_ =	shalt  }
0x75: {  	_ =	shalt  }
0x76: {  	_ =	shalt  }
0x77: {  	_ =	shalt  }
0x78: {  	_ =	shalt  }
0x79: {  	_ =	shalt  }
0x7a: {  	_ =	shalt  }
0x7b: {  	_ =	shalt  }
0x7c: {  	_ =	shalt  }
0x7d: {  	_ =	shalt  }
0x7e: {  	_ =	shalt  }
0x7f: {  	_ =	shalt  }
0x80: {  	_ =	shalt  }
0x81: {  	_ =	shalt  }
0x82: {  	_ =	shalt  }
0x83: {  	_ =	shalt  }
0x84: {  	_ =	shalt  }
0x85: {  	_ =	shalt  }
0x86: {  	_ =	shalt  }
0x87: {  	_ =	shalt  }
.Lfunc_end0:
.L_simem_size_0:
called_computation_lowered:
.L_overlay_start_0:
0x88: {  	s2 =	sld [smem:$0x3FD9]  }
0x89: {  	s3 =	sld [smem:$0x3FFE];
	_ =	sdelay $0x1  }
0x8a: {  	s1 =	srdreg.scid  }
0x8b: {  	s0 =	sand.u32 $0x1, s1  }
0x8c: {  	s17 =	sshll.u32 s0, $0xA;
	s2 =	sadd.s32 s3, s2  }
0x8d: {  	s2 =	sadd.s32 s2, s17  }
0x8e: {  	[smem:$0x3FB5] =	sst s2  }
0x8f: {  	_ = 	snop  }
0x90: {  	s2 =	sld [smem:$0x3FD0];
	(tm) =	ssettm $0x1  }
0x91: {  	s18 =	sld [smem:$0x3FFB];
	_ =	sdelay $0x3  }
0x92: {  	_ =	strace s18  }
0x93: {  	s3 =	sld [smem:$0x3FFC];
	_ =	sdelay $0x3  }
0x94: {  	_ =	strace s3  }
0x95: {  	s3 =	sld [smem:$0x3FFD];
	_ =	sdelay $0x3  }
0x96: {  	_ =	strace s3  }
0x97: {  	_ =	strace $0x8FFFFFFF  }
0x98: {  	s19 =	sld [smem:$0x3FDB];
	_ =	sdelay $0x1  }
0x99: {  	s4 =	simm.s32 $_scs_section_size  }
0x9a: {  	s5 =	simm.s32 $_size__tile_overlayer_lowered;
	s6 =	simm.s32 $_tile_overlayer_lowered  }
0x9b: {  	s22 =	simm.s32 $0x1BFF;
	s21 =	sshll.u32 s6, $0x1;
	s3 =	sadd.s32 s4, s19  }
0x9c: {  	s7 =	simm.s32 $0x0;
	s20 =	sshll.u32 s5, $0x1;
	s5 =	sadd.s32 s21, s3  }
0x9d: {  	[timem:s7], [sflag:s22] =	dma.local [hbm:s5], s20  }
0x9e: {  	_ =	swait.ge [sflag:s22], s20  }
0x9f: {  	s4 =	ssub.s32 $0x0, s20;
	[sflag:s22] =	ssyncset.done $0x0  }
0xa0: {  	[sflag:s22] =	ssyncadd.s32 s4;
	_ =	sdelay $0x1  }
0xa1: {  	s23 =	simm.s32 $0x1B8B  }
0xa2: {  	_ =	swait.ge [sflag:s23], $0x1  }
0xa3: {  	[sflag:s23] =	ssyncset.done $0x0  }
0xa4: {  	s25 =	simm.s32 $0x1B8E;
	s24 =	sld [smem:$0x3FFE];
	[sflag:s23] =	ssyncadd.s32 $0xFFFFFFFF  }
0xa5: {  	s26 =	simm.s32 $execute0_lowered;
	[smem:$0x3FD2] =	sst s25  }
0xa6: {  	s5 =	sshll.u32 s26, $0x1;
	_ =	strace $0x80000046;
	[dreg:$0x1] =	wrdreg $0xFFFFFFFF  }
0xa7: {  	s28 =	simm.s32 $_size_execute0_lowered;
	s3 =	sadd.s32 s3, s5;
	[dreg:$0x0] =	wrdreg $0x0  }
0xa8: {  	s5 =	sshll.u32 s28, $0x1;
	[dreg:$0x2] =	wrdreg s3  }
0xa9: {  	[dreg:$0x3] =	wrdreg s5  }
0xaa: {  	[dreg:$0x4] =	wrdreg $0xC0  }
0xab: {  	_ =	task [dreg:s7], $0x5FFFF  }
0xac: {  	[dreg:$0x1] =	wrdreg $0xFFFFFFFF  }
0xad: {  	[dreg:$0x0] =	wrdreg $0x60  }
0xae: {  	[dreg:$0x2] =	wrdreg s2  }
0xaf: {  	[dreg:$0x3] =	wrdreg s24  }
0xb0: {  	[dreg:$0x4] =	wrdreg $0x9  }
0xb1: {  	_ =	task.clear_ibuf [dreg:s7], $0x5FFFF;
	_ =	strace $0x90000046  }
0xb2: {  	s29 =	simm.s32 $0x9;
	_ =	strace $0x80000048  }
0xb3: {  	_ =	swait.ge [sflag:s29], $0x1  }
0xb4: {  	[sflag:s29] =	ssyncadd.s32 $0xFFFFFFFF  }
0xb5: {  	_ =	strace $0x90000048  }
0xb6: {  	_ =	sfence  }
0xb7: {  	s30 =	sld [smem:$0x0];
	_ =	sdelay $0x2  }
0xb8: {  	s31 =	sshll.u32 s1, $0xD;
	s1 =	sshrl.u32 s1, $0x2  }
0xb9: {  	s3 =	sand.u32 $0x4000, s31;
	s1 =	sadd.s32 s1, s30  }
0xba: {  	s0 =	sor.u32 s3, s0;
	s1 =	sshll.u32 s1, $0x11  }
0xbb: {  	s0 =	sor.u32 s1, s0  }
0xbc: {  	s0 =	sadd.s32 $0x8F2B, s0  }
0xbd: {  	[sflag:s0] =	ssyncadd.remote.s32 $0x1  }
0xbe: {  	_ =	sfence.sel $0xFFFF  }
0xbf: {  	[dreg:$0x0] =	wrdreg $0xFFFFFFFF;
	(pc) =	sbr.abs _section_cstart, $3  }
0xc0: {  	[dreg:$0x1] =	wrdreg $0xFFFFFFFF  }
0xc1: {  	_ =	task.clear_ibuf [dreg:s7], $0x2FFFF;
	_ =	strace $0x9FFFFFFF  }
0xc2: {  	(tm) =	ssettm $0x7FFFFFFF  }
0xc3: {  	_ =	shalt  }
tec
execute0_lowered:
.L_overlay_start_1:
0x0: {  	(tag) =	ssettag $0x1  }
0x1: {  	s1 =	rddreg [dreg:$0x0]  }
0x2: {  	s7 =	rddreg [dreg:$0x1]  }
0x3: {  	s0 =	rddreg [dreg:$0x2];
	s2 =	simm.s32 $0x0  }
0x4: {  	s5 =	srdreg.scid;
	s3 =	stileid.u32;
	s12 =	simm.s32 $0x50  }
0x5: {  	s13 =	simm.s32 $0x100;
	s14 =	simm.s32 $0x2900;
	s15 =	simm.s32 $0x1  }
0x6: {  	s16 =	simm.s32 $0x2;
	s17 =	simm.s32 $0x0;
	[smem:$0x7FF] =	sst s2  }
0x7: {  	s4 =	sadd.s32 $0x1DC00, s7;
	s8 =	sand.u32 $0x1, s5;
	s5 =	sadd.s32 $0xA000, s7  }
0x8: {  	s10 =	sshll.u32 s3, $0x1;
	s6 =	sadd.s32 $0x13E00, s7;
	s9 =	ssub.s32 $0x2, s8  }
0x9: {  	s7 =	sadd.s32 $0x44E00, s7;
	_ =	strace $0x80000047;
	s11 =	sshrl.u32 s9, $0x1  }
0xa: {  	s8 =	sor.u32 s8, s10;
	s10 =	simm.s32 $0x3;
	s9 =	ssub.s32 s9, s11  }
0xb: {  	s8 =	smul.u32 $0x2710, s8;
	s11 =	simm.s32 $0x80;
	s9 =	smax.u32 s9, $0x1  }
.LBB2_1:
0xc: {  	s18 =	simm.s32 $0x0  }
.LBB2_2:
0xd: {  	s19 =	smul.u32 $0x50, s18;
	_ =	sdelay $0x1  }
0xe: {  	s19 =	sadd.s32 s8, s19  }
0xf: {  	s20 =	sshrl.u32 s19, $0x3  }
0x10: {  	s22 =	simm.s32 $0x0;
	s21 =	sadd.s32 s5, s20  }
0x11: {  	[tilespmem:s22], [sflag:$0x3] =	stream.linear.gather [hbm4b:s21+s22], $0x50, $0x38;
	[tilespmem:$0x5100] =	vst v63  }
0x12: {  	_ =	swait.ge [sflag:s10], $0x50  }
0x13: {  	[sflag:s10] =	ssyncset.done $0x0  }
0x14: {  	s20 =	sadd.s32 s6, s20;
	[sflag:s10] =	ssyncadd.s32 $0xFFFFFFB0  }
0x15: {  	[tilespmem:s11], [sflag:$0x3] =	stream.linear.gather [hbm4b:s20+s22], $0x50, $0x38;
	[tilespmem:$0x5100] =	vst v63  }
0x16: {  	_ =	swait.ge [sflag:s10], $0x50  }
0x17: {  	[sflag:s10] =	ssyncset.done $0x0  }
0x18: {  	[sflag:s10] =	ssyncadd.s32 $0xFFFFFFB0  }
0x19: {  	[tilespmem:s13], [sflag:$0x1] =	stream.indirect.gather [hbm4b:s1+s12], $0x80, s22, s12, $0xb8;
	[tilespmem:$0x5100] =	vst v63  }
0x1a: {  	_ = 	snop  }
0x1b: {  	[tilespmem:s14], [sflag:$0x2] =	stream.indirect.gather [hbm4b:s4+s12], $0x80, s11, s12, $0xb8;
	[tilespmem:$0x5100] =	vst v63  }
0x1c: {  	_ =	swait.ge [sflag:s15], $0x2800  }
0x1d: {  	[sflag:s15] =	ssyncset.done $0x0  }
0x1e: {  	[sflag:s15] =	ssyncadd.s32 $0xFFFFD800  }
0x1f: {  	_ =	swait.ge [sflag:s16], $0x2800  }
0x20: {  	[sflag:s16] =	ssyncset.done $0x0  }
0x21: {  	s20 =	simm.s32 $0x0;
	[sflag:s16] =	ssyncadd.s32 $0xFFFFD800  }
0x22: {  	v7 =	vld [tilespmem:s20+$0x2900]  }
0x23: {  	v11 =	vld [tilespmem:s20+$0x2910]  }
0x24: {  	v5 =	vld [tilespmem:s20+$0x2920]  }
0x25: {  	v4 =	vld [tilespmem:s20+$0x2930]  }
0x26: {  	v3 =	vld [tilespmem:s20+$0x2940]  }
0x27: {  	v2 =	vld [tilespmem:s20+$0x2950]  }
0x28: {  	v1 =	vld [tilespmem:s20+$0x2960]  }
0x29: {  	v0 =	vld [tilespmem:s20+$0x2970]  }
0x2a: {  	v12 =	vld [tilespmem:s20+$0x100]  }
0x2b: {  	v13 =	vld [tilespmem:s20+$0x110]  }
0x2c: {  	v10 =	vld [tilespmem:s20+$0x120]  }
0x2d: {  	v9 =	vld [tilespmem:s20+$0x130]  }
0x2e: {  	v8 =	vld [tilespmem:s20+$0x140]  }
0x2f: {  	v6 =	vld [tilespmem:s20+$0x150];
	v12 =	vadd.f32 v7, v12  }
0x30: {  	s21 =	simm.s32 $0x200;
	v11 =	vadd.f32 v11, v13;
	v7 =	vld [tilespmem:s20+$0x160]  }
.LBB2_3:
0x31: {  	s22 =	sshra.s32 s21, $0x2;
	p0 =	sne.s32 s21, $0x9E00;
	[tilespmem:s20+$0x100] =	vst v12;
	v5 =	vadd.f32 v5, v10;
	v10 =	vld [tilespmem:s20+$0x170]  }
0x32: {  	v12 =	vld [tilespmem:s22+$0x2900];
	[tilespmem:s20+$0x110] =	vst v11;
	v4 =	vadd.f32 v4, v9  }
0x33: {  	v11 =	vld [tilespmem:s22+$0x2910];
	[tilespmem:s20+$0x120] =	vst v5;
	v3 =	vadd.f32 v3, v8  }
0x34: {  	v5 =	vld [tilespmem:s22+$0x2920];
	[tilespmem:s20+$0x130] =	vst v4;
	v2 =	vadd.f32 v2, v6  }
0x35: {  	v4 =	vld [tilespmem:s22+$0x2930];
	[tilespmem:s20+$0x140] =	vst v3;
	v1 =	vadd.f32 v1, v7  }
0x36: {  	v3 =	vld [tilespmem:s22+$0x2940];
	[tilespmem:s20+$0x150] =	vst v2;
	v0 =	vadd.f32 v0, v10  }
0x37: {  	v2 =	vld [tilespmem:s22+$0x2950];
	[tilespmem:s20+$0x160] =	vst v1  }
0x38: {  	v1 =	vld [tilespmem:s22+$0x2960];
	[tilespmem:s20+$0x170] =	vst v0;
	s20 =	smov.u32 s22  }
0x39: {  	v0 =	vld [tilespmem:s20+$0x2970]  }
0x3a: {  	v6 =	vld [tilespmem:s20+$0x100]  }
0x3b: {  	v7 =	vld [tilespmem:s20+$0x110]  }
.Ltmp0:
0x3c: {  	v10 =	vld [tilespmem:s20+$0x120];
	(pc) =	sbr.rel @p0 .LBB2_3-.Ltmp0, $4  }
0x3d: {  	v9 =	vld [tilespmem:s20+$0x130]  }
0x3e: {  	v8 =	vld [tilespmem:s20+$0x140]  }
0x3f: {  	v12 =	vadd.f32 v12, v6;
	v6 =	vld [tilespmem:s20+$0x150]  }
0x40: {  	s21 =	sadd.s32 $0x200, s21;
	v11 =	vadd.f32 v11, v7;
	v7 =	vld [tilespmem:s20+$0x160]  }
0x41: {  	[tilespmem:s20+$0x100] =	vst v12;
	v5 =	vadd.f32 v5, v10;
	v63 =	vld [tilespmem:s20+$0x170]  }
0x42: {  	[tilespmem:s20+$0x110] =	vst v11;
	v4 =	vadd.f32 v4, v9  }
0x43: {  	[tilespmem:s20+$0x120] =	vst v5;
	v3 =	vadd.f32 v3, v8  }
0x44: {  	[tilespmem:s20+$0x130] =	vst v4;
	v2 =	vadd.f32 v2, v6  }
0x45: {  	[tilespmem:s20+$0x140] =	vst v3;
	v1 =	vadd.f32 v1, v7  }
0x46: {  	s18 =	sadd.s32 $0x1, s18;
	[tilespmem:s20+$0x150] =	vst v2;
	v0 =	vadd.f32 v0, v63  }
0x47: {  	s19 =	sshll.u32 s19, $0x4;
	p0 =	sne.s32 s18, $0x7D;
	[tilespmem:s20+$0x160] =	vst v1  }
.Ltmp1:
0x48: {  	s19 =	sadd.s32 s7, s19;
	[tilespmem:s20+$0x170] =	vst v0;
	(pc) =	sbr.rel @p0 .LBB2_2-.Ltmp1, $4  }
0x49: {  	[hbm4b:s19+s2] =	stream.linear.scatter [tilespmem:s13], [sflag:$0x3], $0x2800, $0x38;
	[tilespmem:$0x5100] =	vst v63  }
0x4a: {  	_ =	swait.ge [sflag:s10], $0x2800  }
0x4b: {  	[sflag:s10] =	ssyncset.done $0x0  }
0x4c: {  	[sflag:s10] =	ssyncadd.s32 $0xFFFFD800  }
0x4d: {  	s17 =	sadd.s32 $0x1, s17  }
0x4e: {  	p0 =	sne.s32 s17, s9  }
.Ltmp2:
0x4f: {  	_ = 	snop;
	(pc) =	sbr.rel @p0 .LBB2_1-.Ltmp2, $1  }
0x50: {  	_ =	sdelay $0x3  }
0x51: {  	_ =	sfence.sel $0x180000  }
0x52: {  	[bflag:$0x0] =	sbarrier.arrive $0xFFFF  }
0x53: {  	p0 =	sne.s32 s3, $0x0;
	_ =	strace $0x90000047  }
0x54: {  	s0 =	sadd.s32 @!p0 $0x100000, s0;
	[bflag:$0x2] =	sbarrier.arrive $0xFFFF  }
0x55: {  	[sflag:s0] =	ssyncadd.tile.s32 @!p0 $0x1;
	_ =	shalt  }
.Lfunc_end2:
_tile_overlayer_lowered:
.L_overlay_start_2:
0x56: {  	(tag) =	ssettag $0x2  }
0x57: {  	s0 =	rddreg [dreg:$0x0];
	s2 =	stileid.u32  }
0x58: {  	s1 =	rddreg [dreg:$0x1];
	p0 =	sne.s32 s2, $0x0  }
0x59: {  	s3 =	rddreg [dreg:$0x2];
	[bflag:$0x3] =	sbarrier.arrive $0xFFFF;
	s2 =	simm.s32 @!p0 $0x1C03  }
0x5a: {  	[timem:s3], [sflag:s2] =	dma.local @!p0 [hbm:s0], s1  }
0x5b: {  	s0 =	simm.s32 @!p0 $0x3  }
0x5c: {  	_ =	swait.ge @!p0 [sflag:s0], s1  }
0x5d: {  	s1 =	ssub.s32 @!p0 $0x0, s1;
	[sflag:s0] =	ssyncset.done @!p0 $0x0  }
0x5e: {  	[sflag:s0] =	ssyncadd.s32 @!p0 s1  }
0x5f: {  	[bflag:$0x3] =	sbarrier.arrive $0xFFFF  }
0x60: {  	_ =	shalt  }

// kernel: kernel.15.cloned.1.call-start
scs
__scs_entry_jumppad:
0x0: {  	(pc) =	sbr.rel $0x88, $3  }
0x1: {  	(tag) =	ssettag $0x0;
	lr =	simm.s32 $0x1  }
0x2: {  	[smem:$0x3F8E] =	sst lr;
	_ =	strace $0xD0000000  }
0x3: {  	_ = 	snop  }
0x4: {  	_ = 	snop  }
0x5: {  	_ = 	snop  }
0x6: {  	_ = 	snop  }
0x7: {  	_ = 	snop  }
__scs_overlays_trampoline_lowered:
0x8: {  	[smem:$0x3F9D] =	sst s0  }
0x9: {  	[smem:$0x3F9E] =	sst s1  }
0xa: {  	[smem:$0x3F9F] =	sst s2  }
0xb: {  	[smem:$0x3FA0] =	sst s3  }
0xc: {  	[smem:$0x3FA1] =	sst s4  }
0xd: {  	[smem:$0x3FA2] =	sst s5  }
0xe: {  	[smem:$0x3FA3] =	sst s6  }
0xf: {  	[smem:$0x3FA4] =	sst s7  }
0x10: {  	[smem:$0x3FA5] =	sst s8  }
0x11: {  	[smem:$0x3FA6] =	sst s9;
	s0 =	simm.s32 @!p0 $0x0  }
0x12: {  	s1 =	sld [smem:$0x3F8C];
	s0 =	simm.s32 @p0 $0x1  }
0x13: {  	[smem:$0x3FA7] =	sst s0;
	s0 =	simm.s32 @!p1 $0x0  }
0x14: {  	s2 =	sld [smem:$0x3F8B];
	s0 =	simm.s32 @p1 $0x1  }
0x15: {  	[smem:$0x3FA8] =	sst s0;
	s0 =	simm.s32 @!p2 $0x0  }
0x16: {  	s3 =	sld [smem:$0x3FDB];
	s0 =	simm.s32 @p2 $0x1  }
0x17: {  	s4 =	simm.s32 $0x1BF5;
	[smem:$0x3FAA] =	sst s0  }
0x18: {  	s0 =	sld [smem:$0x3F8D];
	_ =	swait.ge [sflag:s4], $0x0  }
0x19: {  	s7 =	sld [smem:$0x3F8E]  }
0x1a: {  	s8 =	sadd.s32 $0xFFFFE003, lr  }
0x1b: {  	s9 =	sadd.s32 $0xFFFFFEF7, lr;
	s5 =	simm.s32 $0xFFFFFFFF;
	p2 =	slt.u32 s8, $0xFFFFF086  }
0x1c: {  	p1 =	slt.u32 s9, $0xF7A;
	s5 =	simm.s32 @!p2 $0x0  }
0x1d: {  	s5 =	simm.s32 @p1 $0x1;
	p0 =	seq.s32 s7, s2  }
0x1e: {  	s7 =	smul.u32 @!p0 $0xF7A, s2;
	p2 =	seq.s32 @!p0 s5, $0x0  }
0x1f: {  	s9 =	smul.u32 $0xF7A, s1;
	s8 =	simm.s32 @!p0 $0x1BF5;
	p2 =	por !p2, p0  }
0x20: {  	[sflag:s8] =	ssyncset.s32 @!p0 $0xFFFFF086;
	s6 =	sadd.s32 @!p0 s3, s7;
	s7 =	simm.s32 @!p0 $0x108  }
0x21: {  	s3 =	sadd.s32 s3, s9;
	s6 =	sadd.s32 @!p0 $0x88, s6;
	s7 =	simm.s32 @p2 $0x1082  }
0x22: {  	[simem:s7], [sflag:s8] =	dma.local @!p0 [hbm:s6], $0xF7A  }
0x23: {  	s9 =	sor.u32 $0xD0000000, s2;
	s6 =	simm.s32 $0x108;
	_ =	swait.ge @!p0 [sflag:s8], $0x0  }
0x24: {  	s3 =	sadd.s32 $0x88, s3;
	s6 =	simm.s32 @!p1 $0x1082;
	[sflag:s4] =	ssyncset.s32 $0xFFFFF086  }
0x25: {  	[simem:s6], [sflag:s4] =	dma.local [hbm:s3], $0xF7A  }
0x26: {  	[smem:$0x3F8E] =	sst s1;
	(tag) =	ssettag s2;
	_ =	strace s9  }
0x27: {  	s1 =	sld [smem:$0x3F9E]  }
0x28: {  	s2 =	sld [smem:$0x3F9F]  }
0x29: {  	s4 =	sld [smem:$0x3FA1]  }
0x2a: {  	p0 =	seq.s32 s5, $0x0;
	s5 =	sld [smem:$0x3FA2]  }
0x2b: {  	s6 =	sld [smem:$0x3FA3]  }
0x2c: {  	s7 =	sld [smem:$0x3FA4]  }
0x2d: {  	s3 =	simm.s32 $0x108;
	s8 =	sld [smem:$0x3FA5]  }
0x2e: {  	s3 =	simm.s32 @!p0 $0x1082;
	s9 =	sld [smem:$0x3FA6]  }
0x2f: {  	lr =	sadd.s32 s0, s3;
	s0 =	sld [smem:$0x3F9D]  }
0x30: {  	s3 =	sld [smem:$0x3FA0]  }
0x31: {  	[smem:$0x3FA9] =	sst s10  }
0x32: {  	s10 =	sld [smem:$0x3FA7];
	_ =	sdelay $0x3  }
0x33: {  	p0 =	seq.s32 s10, $0x1;
	s10 =	sld [smem:$0x3FA9];
	_ =	sdelay $0x3  }
0x34: {  	[smem:$0x3FA9] =	sst s10  }
0x35: {  	s10 =	sld [smem:$0x3FA8];
	_ =	sdelay $0x3  }
0x36: {  	p1 =	seq.s32 s10, $0x1;
	s10 =	sld [smem:$0x3FA9];
	_ =	sdelay $0x3  }
0x37: {  	[smem:$0x3FA9] =	sst s10  }
0x38: {  	s10 =	sld [smem:$0x3FAA]  }
0x39: {  	_ = 	snop;
	(pc) =	sbr.ind lr, $3  }
0x3a: {  	_ = 	snop  }
0x3b: {  	_ = 	snop  }
0x3c: {  	p2 =	seq.s32 s10, $0x1;
	s10 =	sld [smem:$0x3FA9]  }
0x3d: {  	_ =	shalt  }
0x3e: {  	_ =	shalt  }
0x3f: {  	_ =	shalt  }
0x40: {  	_ =	shalt  }
0x41: {  	_ =	shalt  }
0x42: {  	_ =	shalt  }
0x43: {  	_ =	shalt  }
0x44: {  	_ =	shalt  }
0x45: {  	_ =	shalt  }
0x46: {  	_ =	shalt  }
0x47: {  	_ =	shalt  }
0x48: {  	_ =	shalt  }
0x49: {  	_ =	shalt  }
0x4a: {  	_ =	shalt  }
0x4b: {  	_ =	shalt  }
0x4c: {  	_ =	shalt  }
0x4d: {  	_ =	shalt  }
0x4e: {  	_ =	shalt  }
0x4f: {  	_ =	shalt  }
0x50: {  	_ =	shalt  }
0x51: {  	_ =	shalt  }
0x52: {  	_ =	shalt  }
0x53: {  	_ =	shalt  }
0x54: {  	_ =	shalt  }
0x55: {  	_ =	shalt  }
0x56: {  	_ =	shalt  }
0x57: {  	_ =	shalt  }
0x58: {  	_ =	shalt  }
0x59: {  	_ =	shalt  }
0x5a: {  	_ =	shalt  }
0x5b: {  	_ =	shalt  }
0x5c: {  	_ =	shalt  }
0x5d: {  	_ =	shalt  }
0x5e: {  	_ =	shalt  }
0x5f: {  	_ =	shalt  }
0x60: {  	_ =	shalt  }
0x61: {  	_ =	shalt  }
0x62: {  	_ =	shalt  }
0x63: {  	_ =	shalt  }
0x64: {  	_ =	shalt  }
0x65: {  	_ =	shalt  }
0x66: {  	_ =	shalt  }
0x67: {  	_ =	shalt  }
0x68: {  	_ =	shalt  }
0x69: {  	_ =	shalt  }
0x6a: {  	_ =	shalt  }
0x6b: {  	_ =	shalt  }
0x6c: {  	_ =	shalt  }
0x6d: {  	_ =	shalt  }
0x6e: {  	_ =	shalt  }
0x6f: {  	_ =	shalt  }
0x70: {  	_ =	shalt  }
0x71: {  	_ =	shalt  }
0x72: {  	_ =	shalt  }
0x73: {  	_ =	shalt  }
0x74: {  	_ =	shalt  }
0x75: {  	_ =	shalt  }
0x76: {  	_ =	shalt  }
0x77: {  	_ =	shalt  }
0x78: {  	_ =	shalt  }
0x79: {  	_ =	shalt  }
0x7a: {  	_ =	shalt  }
0x7b: {  	_ =	shalt  }
0x7c: {  	_ =	shalt  }
0x7d: {  	_ =	shalt  }
0x7e: {  	_ =	shalt  }
0x7f: {  	_ =	shalt  }
0x80: {  	_ =	shalt  }
0x81: {  	_ =	shalt  }
0x82: {  	_ =	shalt  }
0x83: {  	_ =	shalt  }
0x84: {  	_ =	shalt  }
0x85: {  	_ =	shalt  }
0x86: {  	_ =	shalt  }
0x87: {  	_ =	shalt  }
.Lfunc_end0:
.L_simem_size_0:
called_computation.1_lowered:
.L_overlay_start_0:
0x88: {  	s2 =	sld [smem:$0x3FD9]  }
0x89: {  	s3 =	sld [smem:$0x3FFE];
	_ =	sdelay $0x1  }
0x8a: {  	s1 =	srdreg.scid  }
0x8b: {  	s0 =	sand.u32 $0x1, s1  }
0x8c: {  	s16 =	sshll.u32 s0, $0xA;
	s2 =	sadd.s32 s3, s2  }
0x8d: {  	s2 =	sadd.s32 s2, s16  }
0x8e: {  	[smem:$0x3FB5] =	sst s2  }
0x8f: {  	_ = 	snop  }
0x90: {  	(tm) =	ssettm $0x1  }
0x91: {  	s17 =	sld [smem:$0x3FFB];
	_ =	sdelay $0x3  }
0x92: {  	_ =	strace s17  }
0x93: {  	s2 =	sld [smem:$0x3FFC];
	_ =	sdelay $0x3  }
0x94: {  	_ =	strace s2  }
0x95: {  	s2 =	sld [smem:$0x3FFD];
	_ =	sdelay $0x3  }
0x96: {  	_ =	strace s2  }
0x97: {  	_ =	strace $0x8FFFFFFF  }
0x98: {  	s18 =	sld [smem:$0x3FDB];
	_ =	sdelay $0x1  }
0x99: {  	s19 =	simm.s32 $_scs_section_size  }
0x9a: {  	s4 =	simm.s32 $_size__tile_overlayer_lowered;
	s5 =	simm.s32 $_tile_overlayer_lowered  }
0x9b: {  	s22 =	simm.s32 $0x1BFF;
	s21 =	sshll.u32 s5, $0x1;
	s2 =	sadd.s32 s19, s18  }
0x9c: {  	s6 =	simm.s32 $0x0;
	s20 =	sshll.u32 s4, $0x1;
	s4 =	sadd.s32 s21, s2  }
0x9d: {  	[timem:s6], [sflag:s22] =	dma.local [hbm:s4], s20  }
0x9e: {  	_ =	swait.ge [sflag:s22], s20  }
0x9f: {  	s3 =	ssub.s32 $0x0, s20;
	[sflag:s22] =	ssyncset.done $0x0  }
0xa0: {  	[sflag:s22] =	ssyncadd.s32 s3;
	_ =	sdelay $0x1  }
0xa1: {  	s23 =	simm.s32 $0x1B8B  }
0xa2: {  	_ =	swait.ge [sflag:s23], $0x1  }
0xa3: {  	[sflag:s23] =	ssyncset.done $0x0  }
0xa4: {  	s25 =	simm.s32 $0x1B8E;
	s24 =	sld [smem:$0x3FFE];
	[sflag:s23] =	ssyncadd.s32 $0xFFFFFFFF  }
0xa5: {  	s26 =	simm.s32 $execute0_lowered;
	[smem:$0x3FD2] =	sst s25  }
0xa6: {  	s4 =	sshll.u32 s26, $0x1;
	_ =	strace $0x80000049;
	[dreg:$0x1] =	wrdreg $0xFFFFFFFF  }
0xa7: {  	s28 =	simm.s32 $_size_execute0_lowered;
	s2 =	sadd.s32 s2, s4;
	[dreg:$0x0] =	wrdreg $0x0  }
0xa8: {  	s4 =	sshll.u32 s28, $0x1;
	[dreg:$0x2] =	wrdreg s2  }
0xa9: {  	[dreg:$0x3] =	wrdreg s4  }
0xaa: {  	[dreg:$0x4] =	wrdreg $0xC0  }
0xab: {  	_ =	task [dreg:s6], $0x5FFFF  }
0xac: {  	[dreg:$0x1] =	wrdreg $0xFFFFFFFF  }
0xad: {  	[dreg:$0x0] =	wrdreg $0x60  }
0xae: {  	[dreg:$0x2] =	wrdreg s24  }
0xaf: {  	[dreg:$0x3] =	wrdreg $0x50800  }
0xb0: {  	[dreg:$0x4] =	wrdreg $0x9  }
0xb1: {  	_ =	task.clear_ibuf [dreg:s6], $0x5FFFF;
	_ =	strace $0x90000049  }
0xb2: {  	s29 =	simm.s32 $0x9;
	_ =	strace $0x8000004B  }
0xb3: {  	_ =	swait.ge [sflag:s29], $0x1  }
0xb4: {  	[sflag:s29] =	ssyncadd.s32 $0xFFFFFFFF  }
0xb5: {  	_ =	strace $0x9000004B  }
0xb6: {  	_ =	sfence  }
0xb7: {  	s30 =	sld [smem:$0x0];
	_ =	sdelay $0x2  }
0xb8: {  	s31 =	sshll.u32 s1, $0xD;
	s1 =	sshrl.u32 s1, $0x2  }
0xb9: {  	s3 =	sand.u32 $0x4000, s31;
	s1 =	sadd.s32 s1, s30  }
0xba: {  	s0 =	sor.u32 s3, s0;
	s1 =	sshll.u32 s1, $0x11  }
0xbb: {  	s0 =	sor.u32 s1, s0  }
0xbc: {  	s0 =	sadd.s32 $0x8F2B, s0  }
0xbd: {  	[sflag:s0] =	ssyncadd.remote.s32 $0x1  }
0xbe: {  	_ =	sfence.sel $0xFFFF  }
0xbf: {  	[dreg:$0x0] =	wrdreg $0xFFFFFFFF;
	(pc) =	sbr.abs _section_cstart, $3  }
0xc0: {  	[dreg:$0x1] =	wrdreg $0xFFFFFFFF  }
0xc1: {  	_ =	task.clear_ibuf [dreg:s6], $0x2FFFF;
	_ =	strace $0x9FFFFFFF  }
0xc2: {  	(tm) =	ssettm $0x7FFFFFFF  }
0xc3: {  	_ =	shalt  }
tec
execute0_lowered:
.L_overlay_start_1:
0x0: {  	(tag) =	ssettag $0x1  }
0x1: {  	s0 =	srdreg.scid;
	s1 =	stileid.u32  }
0x2: {  	s5 =	rddreg [dreg:$0x0];
	s8 =	smul.u32 $0x2710, s1  }
0x3: {  	s2 =	rddreg [dreg:$0x1];
	s28 =	smul.u32 $0x2800, s1  }
0x4: {  	s3 =	simm.s32 $0x0;
	s17 =	simm.s32 $0x2880;
	s30 =	smul.u32 $0x50000, s1  }
0x5: {  	s18 =	simm.s32 $0x1;
	s6 =	sand.u32 $0x1, s0;
	s14 =	smul.u32 $0x27100, s1  }
0x6: {  	s19 =	simm.s32 $0x80;
	s20 =	simm.s32 $0x50;
	s4 =	smul.u32 $0x271000, s6  }
0x7: {  	s23 =	simm.s32 $0x0;
	s0 =	rddreg [dreg:$0x2];
	s7 =	smul.u32 $0x27100, s6  }
0x8: {  	[smem:$0x7FF] =	sst s3;
	s21 =	sshll.u32 s1, $0x6;
	s9 =	smul.u32 $0x28000, s6  }
0x9: {  	_ =	strace $0x8000004A;
	s6 =	ssub.s32 $0x2, s6;
	s21 =	sor.u32 $0x1C01, s21  }
0xa: {  	s31 =	sshrl.u32 s6, $0x1;
	s7 =	sadd.s32 s8, s7;
	s13 =	sadd.s32 s4, s5  }
0xb: {  	s4 =	sadd.s32 $0x8000, s5;
	s8 =	sadd.s32 s28, s9;
	s9 =	ssub.s32 s6, s31  }
0xc: {  	s29 =	sshrl.u32 s7, $0x3;
	s7 =	sshrl.u32 s30, $0x2;
	s8 =	sadd.s32 s8, s5  }
0xd: {  	s15 =	sadd.s32 s14, s13;
	s16 =	sadd.s32 s29, s5;
	s5 =	sadd.s32 s7, s2  }
0xe: {  	s6 =	sadd.s32 $0x1DC00, s8;
	s7 =	smax.u32 s9, $0x1;
	s15 =	sadd.s32 $0x528800, s15  }
0xf: {  	s8 =	sadd.s32 $0x2800, s5;
	s9 =	sadd.s32 $0x5000, s5;
	s10 =	sadd.s32 $0x7800, s5  }
0x10: {  	s11 =	sadd.s32 $0xA000, s5;
	s12 =	sadd.s32 $0xC800, s5;
	s13 =	sadd.s32 $0xF000, s5  }
0x11: {  	s14 =	sadd.s32 $0x11800, s5;
	s16 =	sadd.s32 $0x13E00, s16;
	s22 =	sshrl.u32 s5, $0x3  }
.LBB2_1:
0x12: {  	[tilespmem:s17], [sflag:$0x1] =	stream.linear.gather [hbm4b:s4+s3], $0x2800, $0x38;
	[tilespmem:$0x19080] =	vst v63  }
0x13: {  	_ =	swait.ge [sflag:s18], $0x2800  }
0x14: {  	[sflag:s18] =	ssyncset.done $0x0  }
0x15: {  	[sflag:s18] =	ssyncadd.s32 $0xFFFFD800  }
0x16: {  	[spmem:s5] =	stream.linear.scatter [tilespmem:s17], [sflag:$0x1], $0x2800, $0x38;
	[tilespmem:$0x19080] =	vst v63  }
0x17: {  	_ =	swait.ge [sflag:s18], $0x2800  }
0x18: {  	[sflag:s18] =	ssyncset.done $0x0  }
0x19: {  	[sflag:s18] =	ssyncadd.s32 $0xFFFFD800  }
0x1a: {  	[spmem:s8] =	stream.linear.scatter [tilespmem:s17], [sflag:$0x1], $0x2800, $0x38;
	[tilespmem:$0x19080] =	vst v63  }
0x1b: {  	_ =	swait.ge [sflag:s18], $0x2800  }
0x1c: {  	[sflag:s18] =	ssyncset.done $0x0  }
0x1d: {  	[sflag:s18] =	ssyncadd.s32 $0xFFFFD800  }
0x1e: {  	[spmem:s9] =	stream.linear.scatter [tilespmem:s17], [sflag:$0x1], $0x2800, $0x38;
	[tilespmem:$0x19080] =	vst v63  }
0x1f: {  	_ =	swait.ge [sflag:s18], $0x2800  }
0x20: {  	[sflag:s18] =	ssyncset.done $0x0  }
0x21: {  	[sflag:s18] =	ssyncadd.s32 $0xFFFFD800  }
0x22: {  	[spmem:s10] =	stream.linear.scatter [tilespmem:s17], [sflag:$0x1], $0x2800, $0x38;
	[tilespmem:$0x19080] =	vst v63  }
0x23: {  	_ =	swait.ge [sflag:s18], $0x2800  }
0x24: {  	[sflag:s18] =	ssyncset.done $0x0  }
0x25: {  	[sflag:s18] =	ssyncadd.s32 $0xFFFFD800  }
0x26: {  	[spmem:s11] =	stream.linear.scatter [tilespmem:s17], [sflag:$0x1], $0x2800, $0x38;
	[tilespmem:$0x19080] =	vst v63  }
0x27: {  	_ =	swait.ge [sflag:s18], $0x2800  }
0x28: {  	[sflag:s18] =	ssyncset.done $0x0  }
0x29: {  	[sflag:s18] =	ssyncadd.s32 $0xFFFFD800  }
0x2a: {  	[spmem:s12] =	stream.linear.scatter [tilespmem:s17], [sflag:$0x1], $0x2800, $0x38;
	[tilespmem:$0x19080] =	vst v63  }
0x2b: {  	_ =	swait.ge [sflag:s18], $0x2800  }
0x2c: {  	[sflag:s18] =	ssyncset.done $0x0  }
0x2d: {  	[sflag:s18] =	ssyncadd.s32 $0xFFFFD800  }
0x2e: {  	[spmem:s13] =	stream.linear.scatter [tilespmem:s17], [sflag:$0x1], $0x2800, $0x38;
	[tilespmem:$0x19080] =	vst v63  }
0x2f: {  	_ =	swait.ge [sflag:s18], $0x2800  }
0x30: {  	[sflag:s18] =	ssyncset.done $0x0  }
0x31: {  	[sflag:s18] =	ssyncadd.s32 $0xFFFFD800  }
0x32: {  	[spmem:s14] =	stream.linear.scatter [tilespmem:s17], [sflag:$0x1], $0x2800, $0x38;
	[tilespmem:$0x19080] =	vst v63  }
0x33: {  	_ =	swait.ge [sflag:s18], $0x2800  }
0x34: {  	[sflag:s18] =	ssyncset.done $0x0  }
0x35: {  	[sflag:s18] =	ssyncadd.s32 $0xFFFFD800  }
0x36: {  	s24 =	sadd.s32 $0x0, s16;
	[bflag:$0x0] =	sbarrier.arrive $0xFFFF  }
0x37: {  	[tilespmem:s3], [sflag:$0x1] =	stream.linear.gather [hbm4b:s24+s3], $0x50, $0x38;
	[tilespmem:$0x19080] =	vst v63  }
0x38: {  	_ =	swait.ge [sflag:s18], $0x50  }
0x39: {  	[sflag:s18] =	ssyncset.done $0x0  }
0x3a: {  	[sflag:s18] =	ssyncadd.s32 $0xFFFFFFB0  }
0x3b: {  	[tilespmem:s19], [sflag:$0x1] =	stream.linear.gather [hbm4b:s15+s3], $0x2800, $0x38;
	[tilespmem:$0x19080] =	vst v63  }
0x3c: {  	_ =	swait.ge [sflag:s18], $0x2800  }
0x3d: {  	[sflag:s18] =	ssyncset.done $0x0  }
0x3e: {  	[sflag:s18] =	ssyncadd.s32 $0xFFFFD800  }
0x3f: {  	[spmem:s2] =	stream.indirect.scatter.add.f32 [tilespmem:s19], [sflag:$0x1], $0x80, s3, s20, $0xb8;
	[tilespmem:$0x19080] =	vst v63  }
0x40: {  	s25 =	simm.s32 $0xA;
	_ =	swait.ge [sflag:s18], $0x2800  }
0x41: {  	s26 =	simm.s32 $0x14;
	s24 =	sadd.s32 $0x500, s15;
	[sflag:s18] =	ssyncset.done $0x0  }
.LBB2_2:
0x42: {  	s28 =	sadd.s32 s25, s16  }
0x43: {  	[sflag:s18] =	ssyncadd.s32 $0xFFFFD800;
	s25 =	smov.u32 s26;
	s29 =	sadd.s32 $0xA, s26  }
0x44: {  	[tilespmem:s3], [sflag:$0x1] =	stream.linear.gather [hbm4b:s28+s3], $0x50, $0x38;
	[tilespmem:$0x19080] =	vst v63  }
0x45: {  	p0 =	sne.s32 s26, $0x4D8;
	_ =	swait.ge [sflag:s18], $0x50  }
0x46: {  	[sflag:s18] =	ssyncset.done $0x0  }
0x47: {  	[sflag:s18] =	ssyncadd.s32 $0xFFFFFFB0  }
0x48: {  	[tilespmem:s19], [sflag:$0x1] =	stream.linear.gather [hbm4b:s24+s3], $0x2800, $0x38;
	[tilespmem:$0x19080] =	vst v63  }
0x49: {  	_ =	swait.ge [sflag:s18], $0x2800  }
.Ltmp0:
0x4a: {  	[sflag:s18] =	ssyncset.done $0x0;
	(pc) =	sbr.rel @p0 .LBB2_2-.Ltmp0, $4  }
0x4b: {  	[sflag:s18] =	ssyncadd.s32 $0xFFFFD800  }
0x4c: {  	[spmem:s2] =	stream.indirect.scatter.add.f32 [tilespmem:s19], [sflag:$0x1], $0x80, s3, s20, $0xb8;
	[tilespmem:$0x19080] =	vst v63  }
0x4d: {  	_ =	swait.ge [sflag:s18], $0x2800  }
0x4e: {  	s26 =	smov.u32 s29;
	s24 =	sadd.s32 $0x500, s24;
	[sflag:s18] =	ssyncset.done $0x0  }
0x4f: {  	s25 =	sadd.s32 s25, s16;
	[sflag:s18] =	ssyncadd.s32 $0xFFFFD800  }
0x50: {  	[tilespmem:s3], [sflag:$0x1] =	stream.linear.gather [hbm4b:s25+s3], $0x50, $0x38;
	[tilespmem:$0x19080] =	vst v63  }
0x51: {  	_ =	swait.ge [sflag:s18], $0x50  }
0x52: {  	[sflag:s18] =	ssyncset.done $0x0  }
0x53: {  	[sflag:s18] =	ssyncadd.s32 $0xFFFFFFB0  }
0x54: {  	[tilespmem:s19], [sflag:$0x1] =	stream.linear.gather [hbm4b:s24+s3], $0x2800, $0x38;
	[tilespmem:$0x19080] =	vst v63  }
0x55: {  	_ =	swait.ge [sflag:s18], $0x2800  }
0x56: {  	[sflag:s18] =	ssyncset.done $0x0  }
0x57: {  	[sflag:s18] =	ssyncadd.s32 $0xFFFFD800  }
0x58: {  	[spmem:s2] =	stream.indirect.scatter.add.f32 [tilespmem:s19], [sflag:$0x1], $0x80, s3, s20, $0xb8;
	[tilespmem:$0x19080] =	vst v63  }
0x59: {  	_ =	swait.ge [sflag:s18], $0x2800  }
0x5a: {  	s23 =	sadd.s32 $0x1, s23;
	[sflag:s18] =	ssyncset.done $0x0  }
0x5b: {  	p0 =	sne.s32 s23, s7;
	[sflag:s18] =	ssyncadd.s32 $0xFFFFD800  }
.Ltmp1:
0x5c: {  	[bflag:$0x0] =	sbarrier.arrive $0xFFFF;
	(pc) =	sbr.rel @p0 .LBB2_1-.Ltmp1, $4  }
0x5d: {  	[hbm:s6], [sflag:s21] =	dma.local [spmem:s22], $0x2800  }
0x5e: {  	_ =	swait.ge [sflag:s18], $0x2800  }
0x5f: {  	[sflag:s18] =	ssyncset.done $0x0  }
0x60: {  	[sflag:s18] =	ssyncadd.s32 $0xFFFFD800  }
0x61: {  	_ =	sfence.sel $0x180000  }
0x62: {  	[bflag:$0x0] =	sbarrier.arrive $0xFFFF  }
0x63: {  	p0 =	sne.s32 s1, $0x0;
	_ =	strace $0x9000004A  }
0x64: {  	s0 =	sadd.s32 @!p0 $0x100000, s0;
	[bflag:$0x2] =	sbarrier.arrive $0xFFFF  }
0x65: {  	[sflag:s0] =	ssyncadd.tile.s32 @!p0 $0x1;
	_ =	shalt  }
.Lfunc_end2:
_tile_overlayer_lowered:
.L_overlay_start_2:
0x66: {  	(tag) =	ssettag $0x2  }
0x67: {  	s0 =	rddreg [dreg:$0x0];
	s2 =	stileid.u32  }
0x68: {  	s1 =	rddreg [dreg:$0x1];
	p0 =	sne.s32 s2, $0x0  }
0x69: {  	s3 =	rddreg [dreg:$0x2];
	[bflag:$0x3] =	sbarrier.arrive $0xFFFF;
	s2 =	simm.s32 @!p0 $0x1C01  }
0x6a: {  	[timem:s3], [sflag:s2] =	dma.local @!p0 [hbm:s0], s1  }
0x6b: {  	s0 =	simm.s32 @!p0 $0x1  }
0x6c: {  	_ =	swait.ge @!p0 [sflag:s0], s1  }
0x6d: {  	s1 =	ssub.s32 @!p0 $0x0, s1;
	[sflag:s0] =	ssyncset.done @!p0 $0x0  }
0x6e: {  	[sflag:s0] =	ssyncadd.s32 @!p0 s1  }
0x6f: {  	[bflag:$0x3] =	sbarrier.arrive $0xFFFF  }
0x70: {  	_ =	shalt  }

// kernel: kernel.18.cloned.1.call-start
scs
__scs_entry_jumppad:
0x0: {  	(pc) =	sbr.rel $0x88, $3  }
0x1: {  	(tag) =	ssettag $0x0;
	lr =	simm.s32 $0x1  }
0x2: {  	[smem:$0x3F8E] =	sst lr;
	_ =	strace $0xD0000000  }
0x3: {  	_ = 	snop  }
0x4: {  	_ = 	snop  }
0x5: {  	_ = 	snop  }
0x6: {  	_ = 	snop  }
0x7: {  	_ = 	snop  }
__scs_overlays_trampoline_lowered:
0x8: {  	[smem:$0x3F9D] =	sst s0  }
0x9: {  	[smem:$0x3F9E] =	sst s1  }
0xa: {  	[smem:$0x3F9F] =	sst s2  }
0xb: {  	[smem:$0x3FA0] =	sst s3  }
0xc: {  	[smem:$0x3FA1] =	sst s4  }
0xd: {  	[smem:$0x3FA2] =	sst s5  }
0xe: {  	[smem:$0x3FA3] =	sst s6  }
0xf: {  	[smem:$0x3FA4] =	sst s7  }
0x10: {  	[smem:$0x3FA5] =	sst s8  }
0x11: {  	[smem:$0x3FA6] =	sst s9;
	s0 =	simm.s32 @!p0 $0x0  }
0x12: {  	s1 =	sld [smem:$0x3F8C];
	s0 =	simm.s32 @p0 $0x1  }
0x13: {  	[smem:$0x3FA7] =	sst s0;
	s0 =	simm.s32 @!p1 $0x0  }
0x14: {  	s2 =	sld [smem:$0x3F8B];
	s0 =	simm.s32 @p1 $0x1  }
0x15: {  	[smem:$0x3FA8] =	sst s0;
	s0 =	simm.s32 @!p2 $0x0  }
0x16: {  	s3 =	sld [smem:$0x3FDB];
	s0 =	simm.s32 @p2 $0x1  }
0x17: {  	s4 =	simm.s32 $0x1BF5;
	[smem:$0x3FAA] =	sst s0  }
0x18: {  	s0 =	sld [smem:$0x3F8D];
	_ =	swait.ge [sflag:s4], $0x0  }
0x19: {  	s7 =	sld [smem:$0x3F8E]  }
0x1a: {  	s8 =	sadd.s32 $0xFFFFE003, lr  }
0x1b: {  	s9 =	sadd.s32 $0xFFFFFEF7, lr;
	s5 =	simm.s32 $0xFFFFFFFF;
	p2 =	slt.u32 s8, $0xFFFFF086  }
0x1c: {  	p1 =	slt.u32 s9, $0xF7A;
	s5 =	simm.s32 @!p2 $0x0  }
0x1d: {  	s5 =	simm.s32 @p1 $0x1;
	p0 =	seq.s32 s7, s2  }
0x1e: {  	s7 =	smul.u32 @!p0 $0xF7A, s2;
	p2 =	seq.s32 @!p0 s5, $0x0  }
0x1f: {  	s9 =	smul.u32 $0xF7A, s1;
	s8 =	simm.s32 @!p0 $0x1BF5;
	p2 =	por !p2, p0  }
0x20: {  	[sflag:s8] =	ssyncset.s32 @!p0 $0xFFFFF086;
	s6 =	sadd.s32 @!p0 s3, s7;
	s7 =	simm.s32 @!p0 $0x108  }
0x21: {  	s3 =	sadd.s32 s3, s9;
	s6 =	sadd.s32 @!p0 $0x88, s6;
	s7 =	simm.s32 @p2 $0x1082  }
0x22: {  	[simem:s7], [sflag:s8] =	dma.local @!p0 [hbm:s6], $0xF7A  }
0x23: {  	s9 =	sor.u32 $0xD0000000, s2;
	s6 =	simm.s32 $0x108;
	_ =	swait.ge @!p0 [sflag:s8], $0x0  }
0x24: {  	s3 =	sadd.s32 $0x88, s3;
	s6 =	simm.s32 @!p1 $0x1082;
	[sflag:s4] =	ssyncset.s32 $0xFFFFF086  }
0x25: {  	[simem:s6], [sflag:s4] =	dma.local [hbm:s3], $0xF7A  }
0x26: {  	[smem:$0x3F8E] =	sst s1;
	(tag) =	ssettag s2;
	_ =	strace s9  }
0x27: {  	s1 =	sld [smem:$0x3F9E]  }
0x28: {  	s2 =	sld [smem:$0x3F9F]  }
0x29: {  	s4 =	sld [smem:$0x3FA1]  }
0x2a: {  	p0 =	seq.s32 s5, $0x0;
	s5 =	sld [smem:$0x3FA2]  }
0x2b: {  	s6 =	sld [smem:$0x3FA3]  }
0x2c: {  	s7 =	sld [smem:$0x3FA4]  }
0x2d: {  	s3 =	simm.s32 $0x108;
	s8 =	sld [smem:$0x3FA5]  }
0x2e: {  	s3 =	simm.s32 @!p0 $0x1082;
	s9 =	sld [smem:$0x3FA6]  }
0x2f: {  	lr =	sadd.s32 s0, s3;
	s0 =	sld [smem:$0x3F9D]  }
0x30: {  	s3 =	sld [smem:$0x3FA0]  }
0x31: {  	[smem:$0x3FA9] =	sst s10  }
0x32: {  	s10 =	sld [smem:$0x3FA7];
	_ =	sdelay $0x3  }
0x33: {  	p0 =	seq.s32 s10, $0x1;
	s10 =	sld [smem:$0x3FA9];
	_ =	sdelay $0x3  }
0x34: {  	[smem:$0x3FA9] =	sst s10  }
0x35: {  	s10 =	sld [smem:$0x3FA8];
	_ =	sdelay $0x3  }
0x36: {  	p1 =	seq.s32 s10, $0x1;
	s10 =	sld [smem:$0x3FA9];
	_ =	sdelay $0x3  }
0x37: {  	[smem:$0x3FA9] =	sst s10  }
0x38: {  	s10 =	sld [smem:$0x3FAA]  }
0x39: {  	_ = 	snop;
	(pc) =	sbr.ind lr, $3  }
0x3a: {  	_ = 	snop  }
0x3b: {  	_ = 	snop  }
0x3c: {  	p2 =	seq.s32 s10, $0x1;
	s10 =	sld [smem:$0x3FA9]  }
0x3d: {  	_ =	shalt  }
0x3e: {  	_ =	shalt  }
0x3f: {  	_ =	shalt  }
0x40: {  	_ =	shalt  }
0x41: {  	_ =	shalt  }
0x42: {  	_ =	shalt  }
0x43: {  	_ =	shalt  }
0x44: {  	_ =	shalt  }
0x45: {  	_ =	shalt  }
0x46: {  	_ =	shalt  }
0x47: {  	_ =	shalt  }
0x48: {  	_ =	shalt  }
0x49: {  	_ =	shalt  }
0x4a: {  	_ =	shalt  }
0x4b: {  	_ =	shalt  }
0x4c: {  	_ =	shalt  }
0x4d: {  	_ =	shalt  }
0x4e: {  	_ =	shalt  }
0x4f: {  	_ =	shalt  }
0x50: {  	_ =	shalt  }
0x51: {  	_ =	shalt  }
0x52: {  	_ =	shalt  }
0x53: {  	_ =	shalt  }
0x54: {  	_ =	shalt  }
0x55: {  	_ =	shalt  }
0x56: {  	_ =	shalt  }
0x57: {  	_ =	shalt  }
0x58: {  	_ =	shalt  }
0x59: {  	_ =	shalt  }
0x5a: {  	_ =	shalt  }
0x5b: {  	_ =	shalt  }
0x5c: {  	_ =	shalt  }
0x5d: {  	_ =	shalt  }
0x5e: {  	_ =	shalt  }
0x5f: {  	_ =	shalt  }
0x60: {  	_ =	shalt  }
0x61: {  	_ =	shalt  }
0x62: {  	_ =	shalt  }
0x63: {  	_ =	shalt  }
0x64: {  	_ =	shalt  }
0x65: {  	_ =	shalt  }
0x66: {  	_ =	shalt  }
0x67: {  	_ =	shalt  }
0x68: {  	_ =	shalt  }
0x69: {  	_ =	shalt  }
0x6a: {  	_ =	shalt  }
0x6b: {  	_ =	shalt  }
0x6c: {  	_ =	shalt  }
0x6d: {  	_ =	shalt  }
0x6e: {  	_ =	shalt  }
0x6f: {  	_ =	shalt  }
0x70: {  	_ =	shalt  }
0x71: {  	_ =	shalt  }
0x72: {  	_ =	shalt  }
0x73: {  	_ =	shalt  }
0x74: {  	_ =	shalt  }
0x75: {  	_ =	shalt  }
0x76: {  	_ =	shalt  }
0x77: {  	_ =	shalt  }
0x78: {  	_ =	shalt  }
0x79: {  	_ =	shalt  }
0x7a: {  	_ =	shalt  }
0x7b: {  	_ =	shalt  }
0x7c: {  	_ =	shalt  }
0x7d: {  	_ =	shalt  }
0x7e: {  	_ =	shalt  }
0x7f: {  	_ =	shalt  }
0x80: {  	_ =	shalt  }
0x81: {  	_ =	shalt  }
0x82: {  	_ =	shalt  }
0x83: {  	_ =	shalt  }
0x84: {  	_ =	shalt  }
0x85: {  	_ =	shalt  }
0x86: {  	_ =	shalt  }
0x87: {  	_ =	shalt  }
.Lfunc_end0:
.L_simem_size_0:
called_computation.2_lowered:
.L_overlay_start_0:
0x88: {  	s2 =	sld [smem:$0x3FD9]  }
0x89: {  	s3 =	sld [smem:$0x3FFE];
	_ =	sdelay $0x1  }
0x8a: {  	s1 =	srdreg.scid  }
0x8b: {  	s0 =	sand.u32 $0x1, s1  }
0x8c: {  	s17 =	sshll.u32 s0, $0xA;
	s2 =	sadd.s32 s3, s2  }
0x8d: {  	s2 =	sadd.s32 s2, s17  }
0x8e: {  	[smem:$0x3FB5] =	sst s2  }
0x8f: {  	_ = 	snop  }
0x90: {  	s2 =	sld [smem:$0x3FD0];
	(tm) =	ssettm $0x1  }
0x91: {  	s18 =	sld [smem:$0x3FFB];
	_ =	sdelay $0x3  }
0x92: {  	_ =	strace s18  }
0x93: {  	s3 =	sld [smem:$0x3FFC];
	_ =	sdelay $0x3  }
0x94: {  	_ =	strace s3  }
0x95: {  	s3 =	sld [smem:$0x3FFD];
	_ =	sdelay $0x3  }
0x96: {  	_ =	strace s3  }
0x97: {  	_ =	strace $0x8FFFFFFF  }
0x98: {  	s19 =	sld [smem:$0x3FDB];
	_ =	sdelay $0x1  }
0x99: {  	s4 =	simm.s32 $_scs_section_size  }
0x9a: {  	s5 =	simm.s32 $_size__tile_overlayer_lowered;
	s6 =	simm.s32 $_tile_overlayer_lowered  }
0x9b: {  	s22 =	simm.s32 $0x1BFF;
	s21 =	sshll.u32 s6, $0x1;
	s3 =	sadd.s32 s4, s19  }
0x9c: {  	s7 =	simm.s32 $0x0;
	s20 =	sshll.u32 s5, $0x1;
	s5 =	sadd.s32 s21, s3  }
0x9d: {  	[timem:s7], [sflag:s22] =	dma.local [hbm:s5], s20  }
0x9e: {  	_ =	swait.ge [sflag:s22], s20  }
0x9f: {  	s4 =	ssub.s32 $0x0, s20;
	[sflag:s22] =	ssyncset.done $0x0  }
0xa0: {  	[sflag:s22] =	ssyncadd.s32 s4;
	_ =	sdelay $0x1  }
0xa1: {  	s23 =	simm.s32 $0x1B8B  }
0xa2: {  	_ =	swait.ge [sflag:s23], $0x1  }
0xa3: {  	[sflag:s23] =	ssyncset.done $0x0  }
0xa4: {  	s25 =	simm.s32 $0x1B8E;
	s24 =	sld [smem:$0x3FFE];
	[sflag:s23] =	ssyncadd.s32 $0xFFFFFFFF  }
0xa5: {  	s26 =	simm.s32 $execute0_lowered;
	[smem:$0x3FD2] =	sst s25  }
0xa6: {  	s5 =	sshll.u32 s26, $0x1;
	_ =	strace $0x8000004C;
	[dreg:$0x1] =	wrdreg $0xFFFFFFFF  }
0xa7: {  	s28 =	simm.s32 $_size_execute0_lowered;
	s3 =	sadd.s32 s3, s5;
	[dreg:$0x0] =	wrdreg $0x0  }
0xa8: {  	s5 =	sshll.u32 s28, $0x1;
	[dreg:$0x2] =	wrdreg s3  }
0xa9: {  	[dreg:$0x3] =	wrdreg s5  }
0xaa: {  	[dreg:$0x4] =	wrdreg $0xC0  }
0xab: {  	_ =	task [dreg:s7], $0x5FFFF  }
0xac: {  	[dreg:$0x1] =	wrdreg $0xFFFFFFFF  }
0xad: {  	[dreg:$0x0] =	wrdreg $0x60  }
0xae: {  	[dreg:$0x2] =	wrdreg s2  }
0xaf: {  	[dreg:$0x3] =	wrdreg s24  }
0xb0: {  	[dreg:$0x4] =	wrdreg $0x9  }
0xb1: {  	_ =	task.clear_ibuf [dreg:s7], $0x5FFFF;
	_ =	strace $0x9000004C  }
0xb2: {  	s29 =	simm.s32 $0x9;
	_ =	strace $0x8000004E  }
0xb3: {  	_ =	swait.ge [sflag:s29], $0x1  }
0xb4: {  	[sflag:s29] =	ssyncadd.s32 $0xFFFFFFFF  }
0xb5: {  	_ =	strace $0x9000004E  }
0xb6: {  	_ =	sfence  }
0xb7: {  	s30 =	sld [smem:$0x0];
	_ =	sdelay $0x2  }
0xb8: {  	s31 =	sshll.u32 s1, $0xD;
	s1 =	sshrl.u32 s1, $0x2  }
0xb9: {  	s3 =	sand.u32 $0x4000, s31;
	s1 =	sadd.s32 s1, s30  }
0xba: {  	s0 =	sor.u32 s3, s0;
	s1 =	sshll.u32 s1, $0x11  }
0xbb: {  	s0 =	sor.u32 s1, s0  }
0xbc: {  	s0 =	sadd.s32 $0x8F2B, s0  }
0xbd: {  	[sflag:s0] =	ssyncadd.remote.s32 $0x1  }
0xbe: {  	_ =	sfence.sel $0xFFFF  }
0xbf: {  	[dreg:$0x0] =	wrdreg $0xFFFFFFFF;
	(pc) =	sbr.abs _section_cstart, $3  }
0xc0: {  	[dreg:$0x1] =	wrdreg $0xFFFFFFFF  }
0xc1: {  	_ =	task.clear_ibuf [dreg:s7], $0x2FFFF;
	_ =	strace $0x9FFFFFFF  }
0xc2: {  	(tm) =	ssettm $0x7FFFFFFF  }
0xc3: {  	_ =	shalt  }
tec
execute0_lowered:
.L_overlay_start_1:
0x0: {  	(tag) =	ssettag $0x1  }
0x1: {  	s1 =	rddreg [dreg:$0x0]  }
0x2: {  	s7 =	rddreg [dreg:$0x1]  }
0x3: {  	s0 =	rddreg [dreg:$0x2];
	s2 =	simm.s32 $0x0  }
0x4: {  	s5 =	srdreg.scid;
	s3 =	stileid.u32;
	s12 =	simm.s32 $0x50  }
0x5: {  	s13 =	simm.s32 $0x100;
	s14 =	simm.s32 $0x2900;
	s15 =	simm.s32 $0x1  }
0x6: {  	s16 =	simm.s32 $0x2;
	s17 =	simm.s32 $0x0;
	[smem:$0x7FF] =	sst s2  }
0x7: {  	s4 =	sadd.s32 $0x44E00, s7;
	s8 =	sand.u32 $0x1, s5;
	s5 =	sadd.s32 $0xA000, s7  }
0x8: {  	s10 =	sshll.u32 s3, $0x1;
	s6 =	sadd.s32 $0x13E00, s7;
	s9 =	ssub.s32 $0x2, s8  }
0x9: {  	s7 =	sadd.s32 $0xA0A800, s7;
	_ =	strace $0x8000004D;
	s11 =	sshrl.u32 s9, $0x1  }
0xa: {  	s8 =	sor.u32 s8, s10;
	s10 =	simm.s32 $0x3;
	s9 =	ssub.s32 s9, s11  }
0xb: {  	s8 =	smul.u32 $0x2710, s8;
	s11 =	simm.s32 $0x80;
	s9 =	smax.u32 s9, $0x1  }
.LBB2_1:
0xc: {  	s18 =	simm.s32 $0x0  }
.LBB2_2:
0xd: {  	s19 =	smul.u32 $0x50, s18;
	_ =	sdelay $0x1  }
0xe: {  	s19 =	sadd.s32 s8, s19  }
0xf: {  	s20 =	sshrl.u32 s19, $0x3  }
0x10: {  	s22 =	simm.s32 $0x0;
	s21 =	sadd.s32 s5, s20  }
0x11: {  	[tilespmem:s22], [sflag:$0x3] =	stream.linear.gather [hbm4b:s21+s22], $0x50, $0x38;
	[tilespmem:$0x5100] =	vst v63  }
0x12: {  	_ =	swait.ge [sflag:s10], $0x50  }
0x13: {  	[sflag:s10] =	ssyncset.done $0x0  }
0x14: {  	s20 =	sadd.s32 s6, s20;
	[sflag:s10] =	ssyncadd.s32 $0xFFFFFFB0  }
0x15: {  	[tilespmem:s11], [sflag:$0x3] =	stream.linear.gather [hbm4b:s20+s22], $0x50, $0x38;
	[tilespmem:$0x5100] =	vst v63  }
0x16: {  	_ =	swait.ge [sflag:s10], $0x50  }
0x17: {  	[sflag:s10] =	ssyncset.done $0x0  }
0x18: {  	[sflag:s10] =	ssyncadd.s32 $0xFFFFFFB0  }
0x19: {  	[tilespmem:s13], [sflag:$0x1] =	stream.indirect.gather [hbm4b:s1+s12], $0x80, s22, s12, $0xb8;
	[tilespmem:$0x5100] =	vst v63  }
0x1a: {  	_ = 	snop  }
0x1b: {  	[tilespmem:s14], [sflag:$0x2] =	stream.indirect.gather [hbm4b:s4+s12], $0x80, s11, s12, $0xb8;
	[tilespmem:$0x5100] =	vst v63  }
0x1c: {  	_ =	swait.ge [sflag:s15], $0x2800  }
0x1d: {  	[sflag:s15] =	ssyncset.done $0x0  }
0x1e: {  	[sflag:s15] =	ssyncadd.s32 $0xFFFFD800  }
0x1f: {  	_ =	swait.ge [sflag:s16], $0x2800  }
0x20: {  	[sflag:s16] =	ssyncset.done $0x0  }
0x21: {  	s20 =	simm.s32 $0x0;
	[sflag:s16] =	ssyncadd.s32 $0xFFFFD800  }
0x22: {  	v7 =	vld [tilespmem:s20+$0x2900]  }
0x23: {  	v11 =	vld [tilespmem:s20+$0x2910]  }
0x24: {  	v5 =	vld [tilespmem:s20+$0x2920]  }
0x25: {  	v4 =	vld [tilespmem:s20+$0x2930]  }
0x26: {  	v3 =	vld [tilespmem:s20+$0x2940]  }
0x27: {  	v2 =	vld [tilespmem:s20+$0x2950]  }
0x28: {  	v1 =	vld [tilespmem:s20+$0x2960]  }
0x29: {  	v0 =	vld [tilespmem:s20+$0x2970]  }
0x2a: {  	v12 =	vld [tilespmem:s20+$0x100]  }
0x2b: {  	v13 =	vld [tilespmem:s20+$0x110]  }
0x2c: {  	v10 =	vld [tilespmem:s20+$0x120]  }
0x2d: {  	v9 =	vld [tilespmem:s20+$0x130]  }
0x2e: {  	v8 =	vld [tilespmem:s20+$0x140]  }
0x2f: {  	v6 =	vld [tilespmem:s20+$0x150];
	v12 =	vadd.f32 v7, v12  }
0x30: {  	s21 =	simm.s32 $0x200;
	v11 =	vadd.f32 v11, v13;
	v7 =	vld [tilespmem:s20+$0x160]  }
.LBB2_3:
0x31: {  	s22 =	sshra.s32 s21, $0x2;
	p0 =	sne.s32 s21, $0x9E00;
	[tilespmem:s20+$0x100] =	vst v12;
	v5 =	vadd.f32 v5, v10;
	v10 =	vld [tilespmem:s20+$0x170]  }
0x32: {  	v12 =	vld [tilespmem:s22+$0x2900];
	[tilespmem:s20+$0x110] =	vst v11;
	v4 =	vadd.f32 v4, v9  }
0x33: {  	v11 =	vld [tilespmem:s22+$0x2910];
	[tilespmem:s20+$0x120] =	vst v5;
	v3 =	vadd.f32 v3, v8  }
0x34: {  	v5 =	vld [tilespmem:s22+$0x2920];
	[tilespmem:s20+$0x130] =	vst v4;
	v2 =	vadd.f32 v2, v6  }
0x35: {  	v4 =	vld [tilespmem:s22+$0x2930];
	[tilespmem:s20+$0x140] =	vst v3;
	v1 =	vadd.f32 v1, v7  }
0x36: {  	v3 =	vld [tilespmem:s22+$0x2940];
	[tilespmem:s20+$0x150] =	vst v2;
	v0 =	vadd.f32 v0, v10  }
0x37: {  	v2 =	vld [tilespmem:s22+$0x2950];
	[tilespmem:s20+$0x160] =	vst v1  }
0x38: {  	v1 =	vld [tilespmem:s22+$0x2960];
	[tilespmem:s20+$0x170] =	vst v0;
	s20 =	smov.u32 s22  }
0x39: {  	v0 =	vld [tilespmem:s20+$0x2970]  }
0x3a: {  	v6 =	vld [tilespmem:s20+$0x100]  }
0x3b: {  	v7 =	vld [tilespmem:s20+$0x110]  }
.Ltmp0:
0x3c: {  	v10 =	vld [tilespmem:s20+$0x120];
	(pc) =	sbr.rel @p0 .LBB2_3-.Ltmp0, $4  }
0x3d: {  	v9 =	vld [tilespmem:s20+$0x130]  }
0x3e: {  	v8 =	vld [tilespmem:s20+$0x140]  }
0x3f: {  	v12 =	vadd.f32 v12, v6;
	v6 =	vld [tilespmem:s20+$0x150]  }
0x40: {  	s21 =	sadd.s32 $0x200, s21;
	v11 =	vadd.f32 v11, v7;
	v7 =	vld [tilespmem:s20+$0x160]  }
0x41: {  	[tilespmem:s20+$0x100] =	vst v12;
	v5 =	vadd.f32 v5, v10;
	v63 =	vld [tilespmem:s20+$0x170]  }
0x42: {  	[tilespmem:s20+$0x110] =	vst v11;
	v4 =	vadd.f32 v4, v9  }
0x43: {  	[tilespmem:s20+$0x120] =	vst v5;
	v3 =	vadd.f32 v3, v8  }
0x44: {  	[tilespmem:s20+$0x130] =	vst v4;
	v2 =	vadd.f32 v2, v6  }
0x45: {  	[tilespmem:s20+$0x140] =	vst v3;
	v1 =	vadd.f32 v1, v7  }
0x46: {  	s18 =	sadd.s32 $0x1, s18;
	[tilespmem:s20+$0x150] =	vst v2;
	v0 =	vadd.f32 v0, v63  }
0x47: {  	s19 =	sshll.u32 s19, $0x4;
	p0 =	sne.s32 s18, $0x7D;
	[tilespmem:s20+$0x160] =	vst v1  }
.Ltmp1:
0x48: {  	s19 =	sadd.s32 s7, s19;
	[tilespmem:s20+$0x170] =	vst v0;
	(pc) =	sbr.rel @p0 .LBB2_2-.Ltmp1, $4  }
0x49: {  	[hbm4b:s19+s2] =	stream.linear.scatter [tilespmem:s13], [sflag:$0x3], $0x2800, $0x38;
	[tilespmem:$0x5100] =	vst v63  }
0x4a: {  	_ =	swait.ge [sflag:s10], $0x2800  }
0x4b: {  	[sflag:s10] =	ssyncset.done $0x0  }
0x4c: {  	[sflag:s10] =	ssyncadd.s32 $0xFFFFD800  }
0x4d: {  	s17 =	sadd.s32 $0x1, s17  }
0x4e: {  	p0 =	sne.s32 s17, s9  }
.Ltmp2:
0x4f: {  	_ = 	snop;
	(pc) =	sbr.rel @p0 .LBB2_1-.Ltmp2, $1  }
0x50: {  	_ =	sdelay $0x3  }
0x51: {  	_ =	sfence.sel $0x180000  }
0x52: {  	[bflag:$0x0] =	sbarrier.arrive $0xFFFF  }
0x53: {  	p0 =	sne.s32 s3, $0x0;
	_ =	strace $0x9000004D  }
0x54: {  	s0 =	sadd.s32 @!p0 $0x100000, s0;
	[bflag:$0x2] =	sbarrier.arrive $0xFFFF  }
0x55: {  	[sflag:s0] =	ssyncadd.tile.s32 @!p0 $0x1;
	_ =	shalt  }
.Lfunc_end2:
_tile_overlayer_lowered:
.L_overlay_start_2:
0x56: {  	(tag) =	ssettag $0x2  }
0x57: {  	s0 =	rddreg [dreg:$0x0];
	s2 =	stileid.u32  }
0x58: {  	s1 =	rddreg [dreg:$0x1];
	p0 =	sne.s32 s2, $0x0  }
0x59: {  	s3 =	rddreg [dreg:$0x2];
	[bflag:$0x3] =	sbarrier.arrive $0xFFFF;
	s2 =	simm.s32 @!p0 $0x1C03  }
0x5a: {  	[timem:s3], [sflag:s2] =	dma.local @!p0 [hbm:s0], s1  }
0x5b: {  	s0 =	simm.s32 @!p0 $0x3  }
0x5c: {  	_ =	swait.ge @!p0 [sflag:s0], s1  }
0x5d: {  	s1 =	ssub.s32 @!p0 $0x0, s1;
	[sflag:s0] =	ssyncset.done @!p0 $0x0  }
0x5e: {  	[sflag:s0] =	ssyncadd.s32 @!p0 s1  }
0x5f: {  	[bflag:$0x3] =	sbarrier.arrive $0xFFFF  }
0x60: {  	_ =	shalt  }

// kernel: kernel.21.cloned.1.call-start
scs
__scs_entry_jumppad:
0x0: {  	(pc) =	sbr.rel $0x88, $3  }
0x1: {  	(tag) =	ssettag $0x0;
	lr =	simm.s32 $0x1  }
0x2: {  	[smem:$0x3F8E] =	sst lr;
	_ =	strace $0xD0000000  }
0x3: {  	_ = 	snop  }
0x4: {  	_ = 	snop  }
0x5: {  	_ = 	snop  }
0x6: {  	_ = 	snop  }
0x7: {  	_ = 	snop  }
__scs_overlays_trampoline_lowered:
0x8: {  	[smem:$0x3F9D] =	sst s0  }
0x9: {  	[smem:$0x3F9E] =	sst s1  }
0xa: {  	[smem:$0x3F9F] =	sst s2  }
0xb: {  	[smem:$0x3FA0] =	sst s3  }
0xc: {  	[smem:$0x3FA1] =	sst s4  }
0xd: {  	[smem:$0x3FA2] =	sst s5  }
0xe: {  	[smem:$0x3FA3] =	sst s6  }
0xf: {  	[smem:$0x3FA4] =	sst s7  }
0x10: {  	[smem:$0x3FA5] =	sst s8  }
0x11: {  	[smem:$0x3FA6] =	sst s9;
	s0 =	simm.s32 @!p0 $0x0  }
0x12: {  	s1 =	sld [smem:$0x3F8C];
	s0 =	simm.s32 @p0 $0x1  }
0x13: {  	[smem:$0x3FA7] =	sst s0;
	s0 =	simm.s32 @!p1 $0x0  }
0x14: {  	s2 =	sld [smem:$0x3F8B];
	s0 =	simm.s32 @p1 $0x1  }
0x15: {  	[smem:$0x3FA8] =	sst s0;
	s0 =	simm.s32 @!p2 $0x0  }
0x16: {  	s3 =	sld [smem:$0x3FDB];
	s0 =	simm.s32 @p2 $0x1  }
0x17: {  	s4 =	simm.s32 $0x1BF5;
	[smem:$0x3FAA] =	sst s0  }
0x18: {  	s0 =	sld [smem:$0x3F8D];
	_ =	swait.ge [sflag:s4], $0x0  }
0x19: {  	s7 =	sld [smem:$0x3F8E]  }
0x1a: {  	s8 =	sadd.s32 $0xFFFFE003, lr  }
0x1b: {  	s9 =	sadd.s32 $0xFFFFFEF7, lr;
	s5 =	simm.s32 $0xFFFFFFFF;
	p2 =	slt.u32 s8, $0xFFFFF086  }
0x1c: {  	p1 =	slt.u32 s9, $0xF7A;
	s5 =	simm.s32 @!p2 $0x0  }
0x1d: {  	s5 =	simm.s32 @p1 $0x1;
	p0 =	seq.s32 s7, s2  }
0x1e: {  	s7 =	smul.u32 @!p0 $0xF7A, s2;
	p2 =	seq.s32 @!p0 s5, $0x0  }
0x1f: {  	s9 =	smul.u32 $0xF7A, s1;
	s8 =	simm.s32 @!p0 $0x1BF5;
	p2 =	por !p2, p0  }
0x20: {  	[sflag:s8] =	ssyncset.s32 @!p0 $0xFFFFF086;
	s6 =	sadd.s32 @!p0 s3, s7;
	s7 =	simm.s32 @!p0 $0x108  }
0x21: {  	s3 =	sadd.s32 s3, s9;
	s6 =	sadd.s32 @!p0 $0x88, s6;
	s7 =	simm.s32 @p2 $0x1082  }
0x22: {  	[simem:s7], [sflag:s8] =	dma.local @!p0 [hbm:s6], $0xF7A  }
0x23: {  	s9 =	sor.u32 $0xD0000000, s2;
	s6 =	simm.s32 $0x108;
	_ =	swait.ge @!p0 [sflag:s8], $0x0  }
0x24: {  	s3 =	sadd.s32 $0x88, s3;
	s6 =	simm.s32 @!p1 $0x1082;
	[sflag:s4] =	ssyncset.s32 $0xFFFFF086  }
0x25: {  	[simem:s6], [sflag:s4] =	dma.local [hbm:s3], $0xF7A  }
0x26: {  	[smem:$0x3F8E] =	sst s1;
	(tag) =	ssettag s2;
	_ =	strace s9  }
0x27: {  	s1 =	sld [smem:$0x3F9E]  }
0x28: {  	s2 =	sld [smem:$0x3F9F]  }
0x29: {  	s4 =	sld [smem:$0x3FA1]  }
0x2a: {  	p0 =	seq.s32 s5, $0x0;
	s5 =	sld [smem:$0x3FA2]  }
0x2b: {  	s6 =	sld [smem:$0x3FA3]  }
0x2c: {  	s7 =	sld [smem:$0x3FA4]  }
0x2d: {  	s3 =	simm.s32 $0x108;
	s8 =	sld [smem:$0x3FA5]  }
0x2e: {  	s3 =	simm.s32 @!p0 $0x1082;
	s9 =	sld [smem:$0x3FA6]  }
0x2f: {  	lr =	sadd.s32 s0, s3;
	s0 =	sld [smem:$0x3F9D]  }
0x30: {  	s3 =	sld [smem:$0x3FA0]  }
0x31: {  	[smem:$0x3FA9] =	sst s10  }
0x32: {  	s10 =	sld [smem:$0x3FA7];
	_ =	sdelay $0x3  }
0x33: {  	p0 =	seq.s32 s10, $0x1;
	s10 =	sld [smem:$0x3FA9];
	_ =	sdelay $0x3  }
0x34: {  	[smem:$0x3FA9] =	sst s10  }
0x35: {  	s10 =	sld [smem:$0x3FA8];
	_ =	sdelay $0x3  }
0x36: {  	p1 =	seq.s32 s10, $0x1;
	s10 =	sld [smem:$0x3FA9];
	_ =	sdelay $0x3  }
0x37: {  	[smem:$0x3FA9] =	sst s10  }
0x38: {  	s10 =	sld [smem:$0x3FAA]  }
0x39: {  	_ = 	snop;
	(pc) =	sbr.ind lr, $3  }
0x3a: {  	_ = 	snop  }
0x3b: {  	_ = 	snop  }
0x3c: {  	p2 =	seq.s32 s10, $0x1;
	s10 =	sld [smem:$0x3FA9]  }
0x3d: {  	_ =	shalt  }
0x3e: {  	_ =	shalt  }
0x3f: {  	_ =	shalt  }
0x40: {  	_ =	shalt  }
0x41: {  	_ =	shalt  }
0x42: {  	_ =	shalt  }
0x43: {  	_ =	shalt  }
0x44: {  	_ =	shalt  }
0x45: {  	_ =	shalt  }
0x46: {  	_ =	shalt  }
0x47: {  	_ =	shalt  }
0x48: {  	_ =	shalt  }
0x49: {  	_ =	shalt  }
0x4a: {  	_ =	shalt  }
0x4b: {  	_ =	shalt  }
0x4c: {  	_ =	shalt  }
0x4d: {  	_ =	shalt  }
0x4e: {  	_ =	shalt  }
0x4f: {  	_ =	shalt  }
0x50: {  	_ =	shalt  }
0x51: {  	_ =	shalt  }
0x52: {  	_ =	shalt  }
0x53: {  	_ =	shalt  }
0x54: {  	_ =	shalt  }
0x55: {  	_ =	shalt  }
0x56: {  	_ =	shalt  }
0x57: {  	_ =	shalt  }
0x58: {  	_ =	shalt  }
0x59: {  	_ =	shalt  }
0x5a: {  	_ =	shalt  }
0x5b: {  	_ =	shalt  }
0x5c: {  	_ =	shalt  }
0x5d: {  	_ =	shalt  }
0x5e: {  	_ =	shalt  }
0x5f: {  	_ =	shalt  }
0x60: {  	_ =	shalt  }
0x61: {  	_ =	shalt  }
0x62: {  	_ =	shalt  }
0x63: {  	_ =	shalt  }
0x64: {  	_ =	shalt  }
0x65: {  	_ =	shalt  }
0x66: {  	_ =	shalt  }
0x67: {  	_ =	shalt  }
0x68: {  	_ =	shalt  }
0x69: {  	_ =	shalt  }
0x6a: {  	_ =	shalt  }
0x6b: {  	_ =	shalt  }
0x6c: {  	_ =	shalt  }
0x6d: {  	_ =	shalt  }
0x6e: {  	_ =	shalt  }
0x6f: {  	_ =	shalt  }
0x70: {  	_ =	shalt  }
0x71: {  	_ =	shalt  }
0x72: {  	_ =	shalt  }
0x73: {  	_ =	shalt  }
0x74: {  	_ =	shalt  }
0x75: {  	_ =	shalt  }
0x76: {  	_ =	shalt  }
0x77: {  	_ =	shalt  }
0x78: {  	_ =	shalt  }
0x79: {  	_ =	shalt  }
0x7a: {  	_ =	shalt  }
0x7b: {  	_ =	shalt  }
0x7c: {  	_ =	shalt  }
0x7d: {  	_ =	shalt  }
0x7e: {  	_ =	shalt  }
0x7f: {  	_ =	shalt  }
0x80: {  	_ =	shalt  }
0x81: {  	_ =	shalt  }
0x82: {  	_ =	shalt  }
0x83: {  	_ =	shalt  }
0x84: {  	_ =	shalt  }
0x85: {  	_ =	shalt  }
0x86: {  	_ =	shalt  }
0x87: {  	_ =	shalt  }
.Lfunc_end0:
.L_simem_size_0:
called_computation.3_lowered:
.L_overlay_start_0:
0x88: {  	s2 =	sld [smem:$0x3FD9]  }
0x89: {  	s3 =	sld [smem:$0x3FFE];
	_ =	sdelay $0x1  }
0x8a: {  	s1 =	srdreg.scid  }
0x8b: {  	s0 =	sand.u32 $0x1, s1  }
0x8c: {  	s16 =	sshll.u32 s0, $0xA;
	s2 =	sadd.s32 s3, s2  }
0x8d: {  	s2 =	sadd.s32 s2, s16  }
0x8e: {  	[smem:$0x3FB5] =	sst s2  }
0x8f: {  	_ = 	snop  }
0x90: {  	(tm) =	ssettm $0x1  }
0x91: {  	s17 =	sld [smem:$0x3FFB];
	_ =	sdelay $0x3  }
0x92: {  	_ =	strace s17  }
0x93: {  	s2 =	sld [smem:$0x3FFC];
	_ =	sdelay $0x3  }
0x94: {  	_ =	strace s2  }
0x95: {  	s2 =	sld [smem:$0x3FFD];
	_ =	sdelay $0x3  }
0x96: {  	_ =	strace s2  }
0x97: {  	_ =	strace $0x8FFFFFFF  }
0x98: {  	s18 =	sld [smem:$0x3FDB];
	_ =	sdelay $0x1  }
0x99: {  	s19 =	simm.s32 $_scs_section_size  }
0x9a: {  	s4 =	simm.s32 $_size__tile_overlayer_lowered;
	s5 =	simm.s32 $_tile_overlayer_lowered  }
0x9b: {  	s22 =	simm.s32 $0x1BFF;
	s21 =	sshll.u32 s5, $0x1;
	s2 =	sadd.s32 s19, s18  }
0x9c: {  	s6 =	simm.s32 $0x0;
	s20 =	sshll.u32 s4, $0x1;
	s4 =	sadd.s32 s21, s2  }
0x9d: {  	[timem:s6], [sflag:s22] =	dma.local [hbm:s4], s20  }
0x9e: {  	_ =	swait.ge [sflag:s22], s20  }
0x9f: {  	s3 =	ssub.s32 $0x0, s20;
	[sflag:s22] =	ssyncset.done $0x0  }
0xa0: {  	[sflag:s22] =	ssyncadd.s32 s3;
	_ =	sdelay $0x1  }
0xa1: {  	s23 =	simm.s32 $0x1B8B  }
0xa2: {  	_ =	swait.ge [sflag:s23], $0x1  }
0xa3: {  	[sflag:s23] =	ssyncset.done $0x0  }
0xa4: {  	s25 =	simm.s32 $0x1B8E;
	s24 =	sld [smem:$0x3FFE];
	[sflag:s23] =	ssyncadd.s32 $0xFFFFFFFF  }
0xa5: {  	s26 =	simm.s32 $execute0_lowered;
	[smem:$0x3FD2] =	sst s25  }
0xa6: {  	s4 =	sshll.u32 s26, $0x1;
	_ =	strace $0x8000004F;
	[dreg:$0x1] =	wrdreg $0xFFFFFFFF  }
0xa7: {  	s28 =	simm.s32 $_size_execute0_lowered;
	s2 =	sadd.s32 s2, s4;
	[dreg:$0x0] =	wrdreg $0x0  }
0xa8: {  	s4 =	sshll.u32 s28, $0x1;
	[dreg:$0x2] =	wrdreg s2  }
0xa9: {  	[dreg:$0x3] =	wrdreg s4  }
0xaa: {  	[dreg:$0x4] =	wrdreg $0xC0  }
0xab: {  	_ =	task [dreg:s6], $0x5FFFF  }
0xac: {  	[dreg:$0x1] =	wrdreg $0xFFFFFFFF  }
0xad: {  	[dreg:$0x0] =	wrdreg $0x60  }
0xae: {  	[dreg:$0x2] =	wrdreg s24  }
0xaf: {  	[dreg:$0x3] =	wrdreg $0x50800  }
0xb0: {  	[dreg:$0x4] =	wrdreg $0x9  }
0xb1: {  	_ =	task.clear_ibuf [dreg:s6], $0x5FFFF;
	_ =	strace $0x9000004F  }
0xb2: {  	s29 =	simm.s32 $0x9;
	_ =	strace $0x80000051  }
0xb3: {  	_ =	swait.ge [sflag:s29], $0x1  }
0xb4: {  	[sflag:s29] =	ssyncadd.s32 $0xFFFFFFFF  }
0xb5: {  	_ =	strace $0x90000051  }
0xb6: {  	_ =	sfence  }
0xb7: {  	s30 =	sld [smem:$0x0];
	_ =	sdelay $0x2  }
0xb8: {  	s31 =	sshll.u32 s1, $0xD;
	s1 =	sshrl.u32 s1, $0x2  }
0xb9: {  	s3 =	sand.u32 $0x4000, s31;
	s1 =	sadd.s32 s1, s30  }
0xba: {  	s0 =	sor.u32 s3, s0;
	s1 =	sshll.u32 s1, $0x11  }
0xbb: {  	s0 =	sor.u32 s1, s0  }
0xbc: {  	s0 =	sadd.s32 $0x8F2B, s0  }
0xbd: {  	[sflag:s0] =	ssyncadd.remote.s32 $0x1  }
0xbe: {  	_ =	sfence.sel $0xFFFF  }
0xbf: {  	[dreg:$0x0] =	wrdreg $0xFFFFFFFF;
	(pc) =	sbr.abs _section_cstart, $3  }
0xc0: {  	[dreg:$0x1] =	wrdreg $0xFFFFFFFF  }
0xc1: {  	_ =	task.clear_ibuf [dreg:s6], $0x2FFFF;
	_ =	strace $0x9FFFFFFF  }
0xc2: {  	(tm) =	ssettm $0x7FFFFFFF  }
0xc3: {  	_ =	shalt  }
tec
execute0_lowered:
.L_overlay_start_1:
0x0: {  	(tag) =	ssettag $0x1  }
0x1: {  	s0 =	srdreg.scid;
	s1 =	stileid.u32  }
0x2: {  	s5 =	rddreg [dreg:$0x0];
	s8 =	smul.u32 $0x2710, s1  }
0x3: {  	s2 =	rddreg [dreg:$0x1];
	s28 =	smul.u32 $0x2800, s1  }
0x4: {  	s3 =	simm.s32 $0x0;
	s17 =	simm.s32 $0x2880;
	s30 =	smul.u32 $0x50000, s1  }
0x5: {  	s18 =	simm.s32 $0x1;
	s6 =	sand.u32 $0x1, s0;
	s14 =	smul.u32 $0x27100, s1  }
0x6: {  	s19 =	simm.s32 $0x80;
	s20 =	simm.s32 $0x50;
	s4 =	smul.u32 $0x271000, s6  }
0x7: {  	s23 =	simm.s32 $0x0;
	s0 =	rddreg [dreg:$0x2];
	s7 =	smul.u32 $0x27100, s6  }
0x8: {  	[smem:$0x7FF] =	sst s3;
	s21 =	sshll.u32 s1, $0x6;
	s9 =	smul.u32 $0x28000, s6  }
0x9: {  	_ =	strace $0x80000050;
	s6 =	ssub.s32 $0x2, s6;
	s21 =	sor.u32 $0x1C01, s21  }
0xa: {  	s31 =	sshrl.u32 s6, $0x1;
	s7 =	sadd.s32 s8, s7;
	s13 =	sadd.s32 s4, s5  }
0xb: {  	s4 =	sadd.s32 $0x8000, s5;
	s8 =	sadd.s32 s28, s9;
	s9 =	ssub.s32 s6, s31  }
0xc: {  	s29 =	sshrl.u32 s7, $0x3;
	s7 =	sshrl.u32 s30, $0x2;
	s8 =	sadd.s32 s8, s5  }
0xd: {  	s15 =	sadd.s32 s14, s13;
	s16 =	sadd.s32 s29, s5;
	s5 =	sadd.s32 s7, s2  }
0xe: {  	s6 =	sadd.s32 $0x70400, s8;
	s7 =	smax.u32 s9, $0x1;
	s15 =	sadd.s32 $0xEEC800, s15  }
0xf: {  	s8 =	sadd.s32 $0x2800, s5;
	s9 =	sadd.s32 $0x5000, s5;
	s10 =	sadd.s32 $0x7800, s5  }
0x10: {  	s11 =	sadd.s32 $0xA000, s5;
	s12 =	sadd.s32 $0xC800, s5;
	s13 =	sadd.s32 $0xF000, s5  }
0x11: {  	s14 =	sadd.s32 $0x11800, s5;
	s16 =	sadd.s32 $0x13E00, s16;
	s22 =	sshrl.u32 s5, $0x3  }
.LBB2_1:
0x12: {  	[tilespmem:s17], [sflag:$0x1] =	stream.linear.gather [hbm4b:s4+s3], $0x2800, $0x38;
	[tilespmem:$0x19080] =	vst v63  }
0x13: {  	_ =	swait.ge [sflag:s18], $0x2800  }
0x14: {  	[sflag:s18] =	ssyncset.done $0x0  }
0x15: {  	[sflag:s18] =	ssyncadd.s32 $0xFFFFD800  }
0x16: {  	[spmem:s5] =	stream.linear.scatter [tilespmem:s17], [sflag:$0x1], $0x2800, $0x38;
	[tilespmem:$0x19080] =	vst v63  }
0x17: {  	_ =	swait.ge [sflag:s18], $0x2800  }
0x18: {  	[sflag:s18] =	ssyncset.done $0x0  }
0x19: {  	[sflag:s18] =	ssyncadd.s32 $0xFFFFD800  }
0x1a: {  	[spmem:s8] =	stream.linear.scatter [tilespmem:s17], [sflag:$0x1], $0x2800, $0x38;
	[tilespmem:$0x19080] =	vst v63  }
0x1b: {  	_ =	swait.ge [sflag:s18], $0x2800  }
0x1c: {  	[sflag:s18] =	ssyncset.done $0x0  }
0x1d: {  	[sflag:s18] =	ssyncadd.s32 $0xFFFFD800  }
0x1e: {  	[spmem:s9] =	stream.linear.scatter [tilespmem:s17], [sflag:$0x1], $0x2800, $0x38;
	[tilespmem:$0x19080] =	vst v63  }
0x1f: {  	_ =	swait.ge [sflag:s18], $0x2800  }
0x20: {  	[sflag:s18] =	ssyncset.done $0x0  }
0x21: {  	[sflag:s18] =	ssyncadd.s32 $0xFFFFD800  }
0x22: {  	[spmem:s10] =	stream.linear.scatter [tilespmem:s17], [sflag:$0x1], $0x2800, $0x38;
	[tilespmem:$0x19080] =	vst v63  }
0x23: {  	_ =	swait.ge [sflag:s18], $0x2800  }
0x24: {  	[sflag:s18] =	ssyncset.done $0x0  }
0x25: {  	[sflag:s18] =	ssyncadd.s32 $0xFFFFD800  }
0x26: {  	[spmem:s11] =	stream.linear.scatter [tilespmem:s17], [sflag:$0x1], $0x2800, $0x38;
	[tilespmem:$0x19080] =	vst v63  }
0x27: {  	_ =	swait.ge [sflag:s18], $0x2800  }
0x28: {  	[sflag:s18] =	ssyncset.done $0x0  }
0x29: {  	[sflag:s18] =	ssyncadd.s32 $0xFFFFD800  }
0x2a: {  	[spmem:s12] =	stream.linear.scatter [tilespmem:s17], [sflag:$0x1], $0x2800, $0x38;
	[tilespmem:$0x19080] =	vst v63  }
0x2b: {  	_ =	swait.ge [sflag:s18], $0x2800  }
0x2c: {  	[sflag:s18] =	ssyncset.done $0x0  }
0x2d: {  	[sflag:s18] =	ssyncadd.s32 $0xFFFFD800  }
0x2e: {  	[spmem:s13] =	stream.linear.scatter [tilespmem:s17], [sflag:$0x1], $0x2800, $0x38;
	[tilespmem:$0x19080] =	vst v63  }
0x2f: {  	_ =	swait.ge [sflag:s18], $0x2800  }
0x30: {  	[sflag:s18] =	ssyncset.done $0x0  }
0x31: {  	[sflag:s18] =	ssyncadd.s32 $0xFFFFD800  }
0x32: {  	[spmem:s14] =	stream.linear.scatter [tilespmem:s17], [sflag:$0x1], $0x2800, $0x38;
	[tilespmem:$0x19080] =	vst v63  }
0x33: {  	_ =	swait.ge [sflag:s18], $0x2800  }
0x34: {  	[sflag:s18] =	ssyncset.done $0x0  }
0x35: {  	[sflag:s18] =	ssyncadd.s32 $0xFFFFD800  }
0x36: {  	s24 =	sadd.s32 $0x0, s16;
	[bflag:$0x0] =	sbarrier.arrive $0xFFFF  }
0x37: {  	[tilespmem:s3], [sflag:$0x1] =	stream.linear.gather [hbm4b:s24+s3], $0x50, $0x38;
	[tilespmem:$0x19080] =	vst v63  }
0x38: {  	_ =	swait.ge [sflag:s18], $0x50  }
0x39: {  	[sflag:s18] =	ssyncset.done $0x0  }
0x3a: {  	[sflag:s18] =	ssyncadd.s32 $0xFFFFFFB0  }
0x3b: {  	[tilespmem:s19], [sflag:$0x1] =	stream.linear.gather [hbm4b:s15+s3], $0x2800, $0x38;
	[tilespmem:$0x19080] =	vst v63  }
0x3c: {  	_ =	swait.ge [sflag:s18], $0x2800  }
0x3d: {  	[sflag:s18] =	ssyncset.done $0x0  }
0x3e: {  	[sflag:s18] =	ssyncadd.s32 $0xFFFFD800  }
0x3f: {  	[spmem:s2] =	stream.indirect.scatter.add.f32 [tilespmem:s19], [sflag:$0x1], $0x80, s3, s20, $0xb8;
	[tilespmem:$0x19080] =	vst v63  }
0x40: {  	s25 =	simm.s32 $0xA;
	_ =	swait.ge [sflag:s18], $0x2800  }
0x41: {  	s26 =	simm.s32 $0x14;
	s24 =	sadd.s32 $0x500, s15;
	[sflag:s18] =	ssyncset.done $0x0  }
.LBB2_2:
0x42: {  	s28 =	sadd.s32 s25, s16  }
0x43: {  	[sflag:s18] =	ssyncadd.s32 $0xFFFFD800;
	s25 =	smov.u32 s26;
	s29 =	sadd.s32 $0xA, s26  }
0x44: {  	[tilespmem:s3], [sflag:$0x1] =	stream.linear.gather [hbm4b:s28+s3], $0x50, $0x38;
	[tilespmem:$0x19080] =	vst v63  }
0x45: {  	p0 =	sne.s32 s26, $0x4D8;
	_ =	swait.ge [sflag:s18], $0x50  }
0x46: {  	[sflag:s18] =	ssyncset.done $0x0  }
0x47: {  	[sflag:s18] =	ssyncadd.s32 $0xFFFFFFB0  }
0x48: {  	[tilespmem:s19], [sflag:$0x1] =	stream.linear.gather [hbm4b:s24+s3], $0x2800, $0x38;
	[tilespmem:$0x19080] =	vst v63  }
0x49: {  	_ =	swait.ge [sflag:s18], $0x2800  }
.Ltmp0:
0x4a: {  	[sflag:s18] =	ssyncset.done $0x0;
	(pc) =	sbr.rel @p0 .LBB2_2-.Ltmp0, $4  }
0x4b: {  	[sflag:s18] =	ssyncadd.s32 $0xFFFFD800  }
0x4c: {  	[spmem:s2] =	stream.indirect.scatter.add.f32 [tilespmem:s19], [sflag:$0x1], $0x80, s3, s20, $0xb8;
	[tilespmem:$0x19080] =	vst v63  }
0x4d: {  	_ =	swait.ge [sflag:s18], $0x2800  }
0x4e: {  	s26 =	smov.u32 s29;
	s24 =	sadd.s32 $0x500, s24;
	[sflag:s18] =	ssyncset.done $0x0  }
0x4f: {  	s25 =	sadd.s32 s25, s16;
	[sflag:s18] =	ssyncadd.s32 $0xFFFFD800  }
0x50: {  	[tilespmem:s3], [sflag:$0x1] =	stream.linear.gather [hbm4b:s25+s3], $0x50, $0x38;
	[tilespmem:$0x19080] =	vst v63  }
0x51: {  	_ =	swait.ge [sflag:s18], $0x50  }
0x52: {  	[sflag:s18] =	ssyncset.done $0x0  }
0x53: {  	[sflag:s18] =	ssyncadd.s32 $0xFFFFFFB0  }
0x54: {  	[tilespmem:s19], [sflag:$0x1] =	stream.linear.gather [hbm4b:s24+s3], $0x2800, $0x38;
	[tilespmem:$0x19080] =	vst v63  }
0x55: {  	_ =	swait.ge [sflag:s18], $0x2800  }
0x56: {  	[sflag:s18] =	ssyncset.done $0x0  }
0x57: {  	[sflag:s18] =	ssyncadd.s32 $0xFFFFD800  }
0x58: {  	[spmem:s2] =	stream.indirect.scatter.add.f32 [tilespmem:s19], [sflag:$0x1], $0x80, s3, s20, $0xb8;
	[tilespmem:$0x19080] =	vst v63  }
0x59: {  	_ =	swait.ge [sflag:s18], $0x2800  }
0x5a: {  	s23 =	sadd.s32 $0x1, s23;
	[sflag:s18] =	ssyncset.done $0x0  }
0x5b: {  	p0 =	sne.s32 s23, s7;
	[sflag:s18] =	ssyncadd.s32 $0xFFFFD800  }
.Ltmp1:
0x5c: {  	[bflag:$0x0] =	sbarrier.arrive $0xFFFF;
	(pc) =	sbr.rel @p0 .LBB2_1-.Ltmp1, $4  }
0x5d: {  	[hbm:s6], [sflag:s21] =	dma.local [spmem:s22], $0x2800  }
0x5e: {  	_ =	swait.ge [sflag:s18], $0x2800  }
0x5f: {  	[sflag:s18] =	ssyncset.done $0x0  }
0x60: {  	[sflag:s18] =	ssyncadd.s32 $0xFFFFD800  }
0x61: {  	_ =	sfence.sel $0x180000  }
0x62: {  	[bflag:$0x0] =	sbarrier.arrive $0xFFFF  }
0x63: {  	p0 =	sne.s32 s1, $0x0;
	_ =	strace $0x90000050  }
0x64: {  	s0 =	sadd.s32 @!p0 $0x100000, s0;
	[bflag:$0x2] =	sbarrier.arrive $0xFFFF  }
0x65: {  	[sflag:s0] =	ssyncadd.tile.s32 @!p0 $0x1;
	_ =	shalt  }
.Lfunc_end2:
_tile_overlayer_lowered:
.L_overlay_start_2:
0x66: {  	(tag) =	ssettag $0x2  }
0x67: {  	s0 =	rddreg [dreg:$0x0];
	s2 =	stileid.u32  }
0x68: {  	s1 =	rddreg [dreg:$0x1];
	p0 =	sne.s32 s2, $0x0  }
0x69: {  	s3 =	rddreg [dreg:$0x2];
	[bflag:$0x3] =	sbarrier.arrive $0xFFFF;
	s2 =	simm.s32 @!p0 $0x1C01  }
0x6a: {  	[timem:s3], [sflag:s2] =	dma.local @!p0 [hbm:s0], s1  }
0x6b: {  	s0 =	simm.s32 @!p0 $0x1  }
0x6c: {  	_ =	swait.ge @!p0 [sflag:s0], s1  }
0x6d: {  	s1 =	ssub.s32 @!p0 $0x0, s1;
	[sflag:s0] =	ssyncset.done @!p0 $0x0  }
0x6e: {  	[sflag:s0] =	ssyncadd.s32 @!p0 s1  }
0x6f: {  	[bflag:$0x3] =	sbarrier.arrive $0xFFFF  }
0x70: {  	_ =	shalt  }

</sc_bundles>
